<compile_context>
chip_gen: v7x
topology: tpu7x:2x2x1
jax: 0.10.2.dev20260603
libtpu: 0.0.44.dev20260713+nightly
codegen_flags: <defaults>
</compile_context>

<pallas_src>
import functools

import jax
import jax.numpy as jnp
from jax import lax
from jax.experimental import pallas as pl
from jax.experimental.pallas import tpu as pltpu
from jax.experimental.pallas import tpu_sc as plsc

N = 10000
E = 320000
D = 128
DOUT = 512

NC = 2
NS = 16
NW = NC * NS
CH = 128
NCHUNK = E // CH
S0 = NCHUNK // NW
REM = NCHUNK - S0 * NW
NPAD = 10112
ZR = NPAD // NS


def _sc_aggregate(ei, x, zrows):
    mesh = plsc.VectorSubcoreMesh(
        core_axis_name="c", subcore_axis_name="s", num_cores=NC)

    @functools.partial(
        pl.kernel,
        out_type=jax.ShapeDtypeStruct((NC, NPAD, D), jnp.float32),
        mesh=mesh,
        scratch_types=[
            pltpu.VMEM_SHARED((NPAD, D), jnp.float32),
            [pltpu.VMEM((2, CH), jnp.int32)] * 3,
            [pltpu.VMEM((CH, D), jnp.float32)] * 3,
            [pltpu.SemaphoreType.DMA] * 3,
            [pltpu.SemaphoreType.DMA] * 3,
            [pltpu.SemaphoreType.DMA] * 3,
        ],
    )
    def k(ei_hbm, x_hbm, z_hbm, out_hbm, acc, ib, gb, si, sg, ss):
        c = lax.axis_index("c")
        s = lax.axis_index("s")
        wid = s * NC + c

        def idx_copies(off, bi, go):
            dsc = pltpu.make_async_copy(
                ei_hbm.at[:, pl.ds(off, CH)], ib[bi], si[bi])
            if go:
                dsc.start()
            else:
                dsc.wait()

        def start_idx(j, bi):
            idx_copies((wid + NW * j) * CH, bi, True)

        def wait_idx(j, bi):
            idx_copies((wid + NW * j) * CH, bi, False)

        def start_gather(bi):
            pltpu.async_copy(x_hbm.at[ib[bi].at[1]], gb[bi], sg[bi])

        def wait_gather(bi):
            pltpu.make_async_copy(x_hbm.at[ib[bi].at[1]], gb[bi], sg[bi]).wait()

        def start_scatter(bi):
            pltpu.async_copy(gb[bi], acc.at[ib[bi].at[0]], ss[bi], add=True)

        def wait_scatter(bi):
            pltpu.make_async_copy(gb[bi], acc.at[ib[bi].at[0]], ss[bi]).wait()

        start_idx(0, 0)
        start_idx(1, 1)
        XL = N - (NS - 1) * ZR

        @pl.when(c == 0)
        def _():
            @pl.when(s < NS - 1)
            def _():
                pltpu.sync_copy(x_hbm.at[pl.ds(s * ZR, ZR)],
                                acc.at[pl.ds(s * ZR, ZR)])

            @pl.when(s == NS - 1)
            def _():
                pltpu.sync_copy(x_hbm.at[pl.ds(s * ZR, XL)],
                                acc.at[pl.ds(s * ZR, XL)])
                pltpu.sync_copy(z_hbm.at[pl.ds(0, ZR - XL)],
                                acc.at[pl.ds(N, ZR - XL)])

        @pl.when(c == 1)
        def _():
            pltpu.sync_copy(z_hbm, acc.at[pl.ds(s * ZR, ZR)])

        plsc.subcore_barrier()
        wait_idx(0, 0)
        start_gather(0)

        def step(j, p, first=False, tail=0):
            if tail < 2:
                wait_idx(j + 1, (p + 1) % 3)
            if not first:
                wait_scatter((p + 2) % 3)
            if tail < 2:
                start_gather((p + 1) % 3)
            if tail < 1:
                start_idx(j + 2, (p + 2) % 3)
            wait_gather(p)
            start_scatter(p)

        step(0, 0, first=True)
        step(1, 1)
        step(2, 2)

        def body(t, carry):
            j = 3 * t
            step(j, 0)
            step(j + 1, 1)
            step(j + 2, 2)
            return carry

        lax.fori_loop(1, S0 // 3 - 1, body, 0)
        step(S0 - 3, 0)
        step(S0 - 2, 1, tail=1)
        step(S0 - 1, 2, tail=2)
        wait_scatter(2)

        @pl.when(wid < REM)
        def _():
            off = (S0 * NW + wid) * CH
            idx_copies(off, 0, True)
            idx_copies(off, 0, False)
            pltpu.async_copy(x_hbm.at[ib[0].at[1]], gb[0], sg[0]).wait()
            pltpu.sync_copy(gb[0], acc.at[ib[0].at[0]], add=True)

        plsc.subcore_barrier()
        pltpu.sync_copy(acc.at[pl.ds(s * ZR, ZR)],
                        out_hbm.at[c, pl.ds(s * ZR, ZR)])

    return k(ei, x, zrows)


def _linear(agg, W, b2):
    R = 2000
    grid = (N // R,)

    def mm(a_ref, w_ref, b_ref, o_ref):
        y = a_ref[0] + a_ref[1]
        o_ref[...] = lax.dot_general(
            y, w_ref[...], (((1,), (1,)), ((), ())),
            preferred_element_type=jnp.float32) + b_ref[...]

    return pl.pallas_call(
        mm,
        grid=grid,
        in_specs=[
            pl.BlockSpec((NC, R, D), lambda i: (0, i, 0)),
            pl.BlockSpec((DOUT, D), lambda i: (0, 0)),
            pl.BlockSpec((1, DOUT), lambda i: (0, 0)),
        ],
        out_specs=pl.BlockSpec((R, DOUT), lambda i: (i, 0)),
        out_shape=jax.ShapeDtypeStruct((N, DOUT), jnp.float32),
    )(agg, W, b2)


def kernel(x, edge_index, W, b):
    ei = edge_index.astype(jnp.int32)
    zrows = jnp.zeros((ZR, D), jnp.float32)
    agg = _sc_aggregate(ei, x, zrows)
    return _linear(agg, W, b[None, :])

# --- scband reference (transcript-rebuilt; emitter-appended) ---
"""Pipeline reference for scband-ganconv-25357486916125 (READ-ONLY COPY).

The authoritative reference and input builder live on the scoring server;
editing this copy changes nothing except your own understanding.
"""

import jax, jax.numpy as jnp
import numpy as np

N = 10000
E = 320000
D_IN = 128
HIDDEN = 128
GATES = 4
D_OUT = HIDDEN * GATES

def setup_inputs(seed: int = 0) -> dict:
    key = jax.random.key(seed)
    k1, k2, k3, k4 = jax.random.split(key, 4)
    x = jax.random.normal(k1, (N, D_IN), dtype=jnp.float32)
    edge_index = jax.random.randint(k2, (2, E), 0, N, dtype=jnp.int64)
    # Linear(input_size, hidden_size * gates_num, bias=True): weight [D_OUT, D_IN], bias [D_OUT]
    bound = 1.0 / np.sqrt(D_IN)
    W = jax.random.uniform(k3, (D_OUT, D_IN), dtype=jnp.float32, minval=-bound, maxval=bound)
    b = jax.random.uniform(k4, (D_OUT,), dtype=jnp.float32, minval=-bound, maxval=bound)
    return {"x": x, "edge_index": edge_index, "W": W, "b": b}

def reference(x, edge_index, W, b):
    row = edge_index[0]
    col = edge_index[1]
    # scatter_add(x[col], row, dim=0, dim_size=N)
    agg = jnp.zeros((x.shape[0], x.shape[1]), dtype=x.dtype).at[row].add(x[col])
    out = x + agg
    out = out @ W.T + b
    return out

if __name__ == "__main__":
    import jax
    _d = setup_inputs()
    print(jax.jit(kernel)(*tuple(_d.values())))

</pallas_src>

<mosaic_0001>
#map = affine_map<(d0, d1) -> (0, 0)>
#map1 = affine_map<(d0, d1) -> (0, 0, 0)>
module attributes {stable_mosaic.version = 14 : i64} {
  func.func @k(%arg0: i32, %arg1: i32, %arg2: memref<2x320000xi32, #tpu.memory_space<hbm>>, %arg3: memref<10000x128xf32, #tpu.memory_space<hbm>>, %arg4: memref<632x128xf32, #tpu.memory_space<hbm>>, %arg5: memref<2x10112x128xf32, #tpu.memory_space<hbm>>, %arg6: memref<10112x128xf32, #tpu.memory_space<vmem_shared>>, %arg7: memref<2x128xi32, #tpu.memory_space<vmem>>, %arg8: memref<2x128xi32, #tpu.memory_space<vmem>>, %arg9: memref<2x128xi32, #tpu.memory_space<vmem>>, %arg10: memref<128x128xf32, #tpu.memory_space<vmem>>, %arg11: memref<128x128xf32, #tpu.memory_space<vmem>>, %arg12: memref<128x128xf32, #tpu.memory_space<vmem>>, %arg13: memref<!tpu.dma_semaphore, #tpu.memory_space<semaphore_mem>>, %arg14: memref<!tpu.dma_semaphore, #tpu.memory_space<semaphore_mem>>, %arg15: memref<!tpu.dma_semaphore, #tpu.memory_space<semaphore_mem>>, %arg16: memref<!tpu.dma_semaphore, #tpu.memory_space<semaphore_mem>>, %arg17: memref<!tpu.dma_semaphore, #tpu.memory_space<semaphore_mem>>, %arg18: memref<!tpu.dma_semaphore, #tpu.memory_space<semaphore_mem>>, %arg19: memref<!tpu.dma_semaphore, #tpu.memory_space<semaphore_mem>>, %arg20: memref<!tpu.dma_semaphore, #tpu.memory_space<semaphore_mem>>, %arg21: memref<!tpu.dma_semaphore, #tpu.memory_space<semaphore_mem>>) attributes {dimension_semantics = [#tpu.dimension_semantics<core_parallel>, #tpu.dimension_semantics<subcore_parallel>], iteration_bounds = array<i64: 2, 16>, scalar_prefetch = 0 : i64, scratch_operands = 16 : i64, tpu.core_type = #tpu.core_type<sc_vector_subcore>, window_params = [{transform_indices = #map}, {transform_indices = #map}, {transform_indices = #map}, {transform_indices = #map1}]} {
    %mul3A = arith.constant 2 : i32
    %mul3A_0 = arith.muli %arg1, %mul3A : i32
    %add3A = arith.addi %mul3A_0, %arg0 : i32
    %add3A_1 = arith.constant 0 : i32
    %add3A_2 = arith.addi %add3A, %add3A_1 : i32
    %mul3A_3 = arith.constant 128 : i32
    %mul3A_4 = arith.muli %add3A_2, %mul3A_3 : i32
    %dma_start3A = arith.constant 0 : i32
    %dma_start3A_5 = tpu.memref_slice %arg2[%dma_start3A, %mul3A_4] : memref<2x320000xi32, #tpu.memory_space<hbm>> -> memref<2x128xi32, #tpu.memory_space<hbm>>
    %dma_start3A_6 = arith.constant 0 : i32
    %dma_start3A_7 = tpu.memref_slice %arg2[%dma_start3A_6, %mul3A_4] : memref<2x320000xi32, #tpu.memory_space<hbm>> -> memref<2x128xi32, #tpu.memory_space<hbm>>
    tpu.enqueue_dma source(%dma_start3A_7 : memref<2x128xi32, #tpu.memory_space<hbm>>) target(%arg7 : memref<2x128xi32, #tpu.memory_space<vmem>>) target_semaphore(%arg13 : memref<!tpu.dma_semaphore, #tpu.memory_space<semaphore_mem>>)
    %add3A_8 = arith.constant 32 : i32
    %add3A_9 = arith.addi %add3A, %add3A_8 : i32
    %mul3A_10 = arith.constant 128 : i32
    %mul3A_11 = arith.muli %add3A_9, %mul3A_10 : i32
    %dma_start3A_12 = arith.constant 0 : i32
    %dma_start3A_13 = tpu.memref_slice %arg2[%dma_start3A_12, %mul3A_11] : memref<2x320000xi32, #tpu.memory_space<hbm>> -> memref<2x128xi32, #tpu.memory_space<hbm>>
    %dma_start3A_14 = arith.constant 0 : i32
    %dma_start3A_15 = tpu.memref_slice %arg2[%dma_start3A_14, %mul3A_11] : memref<2x320000xi32, #tpu.memory_space<hbm>> -> memref<2x128xi32, #tpu.memory_space<hbm>>
    tpu.enqueue_dma source(%dma_start3A_15 : memref<2x128xi32, #tpu.memory_space<hbm>>) target(%arg8 : memref<2x128xi32, #tpu.memory_space<vmem>>) target_semaphore(%arg14 : memref<!tpu.dma_semaphore, #tpu.memory_space<semaphore_mem>>)
    %eq3A = arith.constant 0 : i32
    %eq3A_16 = arith.cmpi eq, %arg0, %eq3A : i32
    %convert_element_type3A = arith.extui %eq3A_16 : i1 to i32
    %cond3A = arith.constant 0 : i32
    %cond3A_17 = arith.cmpi ne, %convert_element_type3A, %cond3A : i32
    scf.if %cond3A_17 {
      %lt3A_284 = arith.constant 15 : i32
      %lt3A_285 = arith.cmpi slt, %arg1, %lt3A_284 : i32
      %convert_element_type3A_286 = arith.extui %lt3A_285 : i1 to i32
      %cond3A_287 = arith.constant 0 : i32
      %cond3A_288 = arith.cmpi ne, %convert_element_type3A_286, %cond3A_287 : i32
      scf.if %cond3A_288 {
        %mul3A_294 = arith.constant 632 : i32
        %mul3A_295 = arith.muli %arg1, %mul3A_294 : i32
        %mul3A_296 = arith.constant 632 : i32
        %mul3A_297 = arith.muli %arg1, %mul3A_296 : i32
        "tpu.region"() ({
          %run_scoped3A = tpu.sem_alloc : memref<!tpu.dma_semaphore, #tpu.memory_space<semaphore_mem>>
          %dma_start3A_298 = arith.constant 0 : i32
          %dma_start3A_299 = tpu.memref_slice %arg6[%mul3A_297, %dma_start3A_298] : memref<10112x128xf32, #tpu.memory_space<vmem_shared>> -> memref<632x128xf32, #tpu.memory_space<vmem_shared>>
          %dma_start3A_300 = arith.constant 0 : i32
          %dma_start3A_301 = tpu.memref_slice %arg3[%mul3A_295, %dma_start3A_300] : memref<10000x128xf32, #tpu.memory_space<hbm>> -> memref<632x128xf32, #tpu.memory_space<hbm>>
          tpu.enqueue_dma source(%dma_start3A_301 : memref<632x128xf32, #tpu.memory_space<hbm>>) target(%dma_start3A_299 : memref<632x128xf32, #tpu.memory_space<vmem_shared>>) target_semaphore(%run_scoped3A : memref<!tpu.dma_semaphore, #tpu.memory_space<semaphore_mem>>)
          %dma_wait3A_302 = arith.constant 0 : i32
          %dma_wait3A_303 = tpu.memref_slice %arg6[%mul3A_297, %dma_wait3A_302] : memref<10112x128xf32, #tpu.memory_space<vmem_shared>> -> memref<632x128xf32, #tpu.memory_space<vmem_shared>>
          %dma_wait3A_304 = arith.constant 0 : i32
          %dma_wait3A_305 = tpu.memref_slice %arg3[%mul3A_295, %dma_wait3A_304] : memref<10000x128xf32, #tpu.memory_space<hbm>> -> memref<632x128xf32, #tpu.memory_space<hbm>>
          tpu.wait_dma2 semaphore(%run_scoped3A : memref<!tpu.dma_semaphore, #tpu.memory_space<semaphore_mem>>) src(%dma_wait3A_305 : memref<632x128xf32, #tpu.memory_space<hbm>>) dst(%dma_wait3A_303 : memref<632x128xf32, #tpu.memory_space<vmem_shared>>)
          tpu.yield
        }) : () -> ()
      } else {
      }
      %eq3A_289 = arith.constant 15 : i32
      %eq3A_290 = arith.cmpi eq, %arg1, %eq3A_289 : i32
      %convert_element_type3A_291 = arith.extui %eq3A_290 : i1 to i32
      %cond3A_292 = arith.constant 0 : i32
      %cond3A_293 = arith.cmpi ne, %convert_element_type3A_291, %cond3A_292 : i32
      scf.if %cond3A_293 {
        %mul3A_294 = arith.constant 632 : i32
        %mul3A_295 = arith.muli %arg1, %mul3A_294 : i32
        %mul3A_296 = arith.constant 632 : i32
        %mul3A_297 = arith.muli %arg1, %mul3A_296 : i32
        "tpu.region"() ({
          %run_scoped3A = tpu.sem_alloc : memref<!tpu.dma_semaphore, #tpu.memory_space<semaphore_mem>>
          %dma_start3A_298 = arith.constant 0 : i32
          %dma_start3A_299 = tpu.memref_slice %arg6[%mul3A_297, %dma_start3A_298] : memref<10112x128xf32, #tpu.memory_space<vmem_shared>> -> memref<520x128xf32, #tpu.memory_space<vmem_shared>>
          %dma_start3A_300 = arith.constant 0 : i32
          %dma_start3A_301 = tpu.memref_slice %arg3[%mul3A_295, %dma_start3A_300] : memref<10000x128xf32, #tpu.memory_space<hbm>> -> memref<520x128xf32, #tpu.memory_space<hbm>>
          tpu.enqueue_dma source(%dma_start3A_301 : memref<520x128xf32, #tpu.memory_space<hbm>>) target(%dma_start3A_299 : memref<520x128xf32, #tpu.memory_space<vmem_shared>>) target_semaphore(%run_scoped3A : memref<!tpu.dma_semaphore, #tpu.memory_space<semaphore_mem>>)
          %dma_wait3A_302 = arith.constant 0 : i32
          %dma_wait3A_303 = tpu.memref_slice %arg6[%mul3A_297, %dma_wait3A_302] : memref<10112x128xf32, #tpu.memory_space<vmem_shared>> -> memref<520x128xf32, #tpu.memory_space<vmem_shared>>
          %dma_wait3A_304 = arith.constant 0 : i32
          %dma_wait3A_305 = tpu.memref_slice %arg3[%mul3A_295, %dma_wait3A_304] : memref<10000x128xf32, #tpu.memory_space<hbm>> -> memref<520x128xf32, #tpu.memory_space<hbm>>
          tpu.wait_dma2 semaphore(%run_scoped3A : memref<!tpu.dma_semaphore, #tpu.memory_space<semaphore_mem>>) src(%dma_wait3A_305 : memref<520x128xf32, #tpu.memory_space<hbm>>) dst(%dma_wait3A_303 : memref<520x128xf32, #tpu.memory_space<vmem_shared>>)
          tpu.yield
        }) : () -> ()
        "tpu.region"() ({
          %run_scoped3A = tpu.sem_alloc : memref<!tpu.dma_semaphore, #tpu.memory_space<semaphore_mem>>
          %dma_start3A_298 = arith.constant 10000 : i32
          %dma_start3A_299 = arith.constant 0 : i32
          %dma_start3A_300 = tpu.memref_slice %arg6[%dma_start3A_298, %dma_start3A_299] : memref<10112x128xf32, #tpu.memory_space<vmem_shared>> -> memref<112x128xf32, #tpu.memory_space<vmem_shared>>
          %dma_start3A_301 = arith.constant 0 : i32
          %dma_start3A_302 = arith.constant 0 : i32
          %dma_start3A_303 = tpu.memref_slice %arg4[%dma_start3A_301, %dma_start3A_302] : memref<632x128xf32, #tpu.memory_space<hbm>> -> memref<112x128xf32, #tpu.memory_space<hbm>>
          tpu.enqueue_dma source(%dma_start3A_303 : memref<112x128xf32, #tpu.memory_space<hbm>>) target(%dma_start3A_300 : memref<112x128xf32, #tpu.memory_space<vmem_shared>>) target_semaphore(%run_scoped3A : memref<!tpu.dma_semaphore, #tpu.memory_space<semaphore_mem>>)
          %dma_wait3A_304 = arith.constant 10000 : i32
          %dma_wait3A_305 = arith.constant 0 : i32
          %dma_wait3A_306 = tpu.memref_slice %arg6[%dma_wait3A_304, %dma_wait3A_305] : memref<10112x128xf32, #tpu.memory_space<vmem_shared>> -> memref<112x128xf32, #tpu.memory_space<vmem_shared>>
          %dma_wait3A_307 = arith.constant 0 : i32
          %dma_wait3A_308 = arith.constant 0 : i32
          %dma_wait3A_309 = tpu.memref_slice %arg4[%dma_wait3A_307, %dma_wait3A_308] : memref<632x128xf32, #tpu.memory_space<hbm>> -> memref<112x128xf32, #tpu.memory_space<hbm>>
          tpu.wait_dma2 semaphore(%run_scoped3A : memref<!tpu.dma_semaphore, #tpu.memory_space<semaphore_mem>>) src(%dma_wait3A_309 : memref<112x128xf32, #tpu.memory_space<hbm>>) dst(%dma_wait3A_306 : memref<112x128xf32, #tpu.memory_space<vmem_shared>>)
          tpu.yield
        }) : () -> ()
      } else {
      }
    } else {
    }
    %eq3A_18 = arith.constant 1 : i32
    %eq3A_19 = arith.cmpi eq, %arg0, %eq3A_18 : i32
    %convert_element_type3A_20 = arith.extui %eq3A_19 : i1 to i32
    %cond3A_21 = arith.constant 0 : i32
    %cond3A_22 = arith.cmpi ne, %convert_element_type3A_20, %cond3A_21 : i32
    scf.if %cond3A_22 {
      %mul3A_284 = arith.constant 632 : i32
      %mul3A_285 = arith.muli %arg1, %mul3A_284 : i32
      "tpu.region"() ({
        %run_scoped3A = tpu.sem_alloc : memref<!tpu.dma_semaphore, #tpu.memory_space<semaphore_mem>>
        %dma_start3A_286 = arith.constant 0 : i32
        %dma_start3A_287 = tpu.memref_slice %arg6[%mul3A_285, %dma_start3A_286] : memref<10112x128xf32, #tpu.memory_space<vmem_shared>> -> memref<632x128xf32, #tpu.memory_space<vmem_shared>>
        tpu.enqueue_dma source(%arg4 : memref<632x128xf32, #tpu.memory_space<hbm>>) target(%dma_start3A_287 : memref<632x128xf32, #tpu.memory_space<vmem_shared>>) target_semaphore(%run_scoped3A : memref<!tpu.dma_semaphore, #tpu.memory_space<semaphore_mem>>)
        %dma_wait3A_288 = arith.constant 0 : i32
        %dma_wait3A_289 = tpu.memref_slice %arg6[%mul3A_285, %dma_wait3A_288] : memref<10112x128xf32, #tpu.memory_space<vmem_shared>> -> memref<632x128xf32, #tpu.memory_space<vmem_shared>>
        tpu.wait_dma2 semaphore(%run_scoped3A : memref<!tpu.dma_semaphore, #tpu.memory_space<semaphore_mem>>) src(%arg4 : memref<632x128xf32, #tpu.memory_space<hbm>>) dst(%dma_wait3A_289 : memref<632x128xf32, #tpu.memory_space<vmem_shared>>)
        tpu.yield
      }) : () -> ()
    } else {
    }
    %barrier3A = arith.constant 0 : index
    tpu.barrier barrier_id(%barrier3A)
    %add3A_23 = arith.constant 0 : i32
    %add3A_24 = arith.addi %add3A, %add3A_23 : i32
    %mul3A_25 = arith.constant 128 : i32
    %mul3A_26 = arith.muli %add3A_24, %mul3A_25 : i32
    %dma_wait3A = arith.constant 0 : i32
    %dma_wait3A_27 = tpu.memref_slice %arg2[%dma_wait3A, %mul3A_26] : memref<2x320000xi32, #tpu.memory_space<hbm>> -> memref<2x128xi32, #tpu.memory_space<hbm>>
    %dma_wait3A_28 = arith.constant 0 : i32
    %dma_wait3A_29 = tpu.memref_slice %arg2[%dma_wait3A_28, %mul3A_26] : memref<2x320000xi32, #tpu.memory_space<hbm>> -> memref<2x128xi32, #tpu.memory_space<hbm>>
    tpu.wait_dma2 semaphore(%arg13 : memref<!tpu.dma_semaphore, #tpu.memory_space<semaphore_mem>>) src(%dma_wait3A_29 : memref<2x128xi32, #tpu.memory_space<hbm>>) dst(%arg7 : memref<2x128xi32, #tpu.memory_space<vmem>>)
    %dma_start3A_30 = arith.constant 1 : i32
    %dma_start3A_31 = arith.constant 0 : i32
    %dma_start3A_32 = tpu.memref_slice %arg7[%dma_start3A_30, %dma_start3A_31] : memref<2x128xi32, #tpu.memory_space<vmem>> -> memref<1x128xi32, #tpu.memory_space<vmem>>
    %dma_start3A_33 = tpu.memref_squeeze %dma_start3A_32 : memref<1x128xi32, #tpu.memory_space<vmem>> -> memref<128xi32, #tpu.memory_space<vmem>>
    %dma_start3A_34 = arith.constant 0 : i32
    %dma_start3A_35 = arith.constant 0 : i32
    %dma_start3A_36 = tpu.memref_slice %arg3[%dma_start3A_34, %dma_start3A_35] : memref<10000x128xf32, #tpu.memory_space<hbm>> -> memref<10000x128xf32, #tpu.memory_space<hbm>>
    tpu.enqueue_indirect_dma source(%dma_start3A_36 : memref<10000x128xf32, #tpu.memory_space<hbm>>) target(%arg10 : memref<128x128xf32, #tpu.memory_space<vmem>>) offsets(%dma_start3A_33 : memref<128xi32, #tpu.memory_space<vmem>>) semaphore(%arg16 : memref<!tpu.dma_semaphore, #tpu.memory_space<semaphore_mem>>)
    %add3A_37 = arith.constant 32 : i32
    %add3A_38 = arith.addi %add3A, %add3A_37 : i32
    %mul3A_39 = arith.constant 128 : i32
    %mul3A_40 = arith.muli %add3A_38, %mul3A_39 : i32
    %dma_wait3A_41 = arith.constant 0 : i32
    %dma_wait3A_42 = tpu.memref_slice %arg2[%dma_wait3A_41, %mul3A_40] : memref<2x320000xi32, #tpu.memory_space<hbm>> -> memref<2x128xi32, #tpu.memory_space<hbm>>
    %dma_wait3A_43 = arith.constant 0 : i32
    %dma_wait3A_44 = tpu.memref_slice %arg2[%dma_wait3A_43, %mul3A_40] : memref<2x320000xi32, #tpu.memory_space<hbm>> -> memref<2x128xi32, #tpu.memory_space<hbm>>
    tpu.wait_dma2 semaphore(%arg14 : memref<!tpu.dma_semaphore, #tpu.memory_space<semaphore_mem>>) src(%dma_wait3A_44 : memref<2x128xi32, #tpu.memory_space<hbm>>) dst(%arg8 : memref<2x128xi32, #tpu.memory_space<vmem>>)
    %dma_start3A_45 = arith.constant 1 : i32
    %dma_start3A_46 = arith.constant 0 : i32
    %dma_start3A_47 = tpu.memref_slice %arg8[%dma_start3A_45, %dma_start3A_46] : memref<2x128xi32, #tpu.memory_space<vmem>> -> memref<1x128xi32, #tpu.memory_space<vmem>>
    %dma_start3A_48 = tpu.memref_squeeze %dma_start3A_47 : memref<1x128xi32, #tpu.memory_space<vmem>> -> memref<128xi32, #tpu.memory_space<vmem>>
    %dma_start3A_49 = arith.constant 0 : i32
    %dma_start3A_50 = arith.constant 0 : i32
    %dma_start3A_51 = tpu.memref_slice %arg3[%dma_start3A_49, %dma_start3A_50] : memref<10000x128xf32, #tpu.memory_space<hbm>> -> memref<10000x128xf32, #tpu.memory_space<hbm>>
    tpu.enqueue_indirect_dma source(%dma_start3A_51 : memref<10000x128xf32, #tpu.memory_space<hbm>>) target(%arg11 : memref<128x128xf32, #tpu.memory_space<vmem>>) offsets(%dma_start3A_48 : memref<128xi32, #tpu.memory_space<vmem>>) semaphore(%arg17 : memref<!tpu.dma_semaphore, #tpu.memory_space<semaphore_mem>>)
    %add3A_52 = arith.constant 64 : i32
    %add3A_53 = arith.addi %add3A, %add3A_52 : i32
    %mul3A_54 = arith.constant 128 : i32
    %mul3A_55 = arith.muli %add3A_53, %mul3A_54 : i32
    %dma_start3A_56 = arith.constant 0 : i32
    %dma_start3A_57 = tpu.memref_slice %arg2[%dma_start3A_56, %mul3A_55] : memref<2x320000xi32, #tpu.memory_space<hbm>> -> memref<2x128xi32, #tpu.memory_space<hbm>>
    %dma_start3A_58 = arith.constant 0 : i32
    %dma_start3A_59 = tpu.memref_slice %arg2[%dma_start3A_58, %mul3A_55] : memref<2x320000xi32, #tpu.memory_space<hbm>> -> memref<2x128xi32, #tpu.memory_space<hbm>>
    tpu.enqueue_dma source(%dma_start3A_59 : memref<2x128xi32, #tpu.memory_space<hbm>>) target(%arg9 : memref<2x128xi32, #tpu.memory_space<vmem>>) target_semaphore(%arg15 : memref<!tpu.dma_semaphore, #tpu.memory_space<semaphore_mem>>)
    %dma_wait3A_60 = arith.constant 1 : i32
    %dma_wait3A_61 = arith.constant 0 : i32
    %dma_wait3A_62 = tpu.memref_slice %arg7[%dma_wait3A_60, %dma_wait3A_61] : memref<2x128xi32, #tpu.memory_space<vmem>> -> memref<1x128xi32, #tpu.memory_space<vmem>>
    %dma_wait3A_63 = tpu.memref_squeeze %dma_wait3A_62 : memref<1x128xi32, #tpu.memory_space<vmem>> -> memref<128xi32, #tpu.memory_space<vmem>>
    %dma_wait3A_64 = arith.constant 0 : i32
    %dma_wait3A_65 = arith.constant 0 : i32
    %dma_wait3A_66 = tpu.memref_slice %arg3[%dma_wait3A_64, %dma_wait3A_65] : memref<10000x128xf32, #tpu.memory_space<hbm>> -> memref<10000x128xf32, #tpu.memory_space<hbm>>
    tpu.wait_indirect_dma semaphore(%arg16 : memref<!tpu.dma_semaphore, #tpu.memory_space<semaphore_mem>>) src(%dma_wait3A_66 : memref<10000x128xf32, #tpu.memory_space<hbm>>) dst(%arg10 : memref<128x128xf32, #tpu.memory_space<vmem>>)
    %dma_start3A_67 = arith.constant 0 : i32
    %dma_start3A_68 = arith.constant 0 : i32
    %dma_start3A_69 = tpu.memref_slice %arg7[%dma_start3A_67, %dma_start3A_68] : memref<2x128xi32, #tpu.memory_space<vmem>> -> memref<1x128xi32, #tpu.memory_space<vmem>>
    %dma_start3A_70 = tpu.memref_squeeze %dma_start3A_69 : memref<1x128xi32, #tpu.memory_space<vmem>> -> memref<128xi32, #tpu.memory_space<vmem>>
    %dma_start3A_71 = arith.constant 0 : i32
    %dma_start3A_72 = arith.constant 0 : i32
    %dma_start3A_73 = tpu.memref_slice %arg6[%dma_start3A_71, %dma_start3A_72] : memref<10112x128xf32, #tpu.memory_space<vmem_shared>> -> memref<10112x128xf32, #tpu.memory_space<vmem_shared>>
    tpu.enqueue_indirect_dma source(%arg10 : memref<128x128xf32, #tpu.memory_space<vmem>>) target(%dma_start3A_73 : memref<10112x128xf32, #tpu.memory_space<vmem_shared>>) offsets(%dma_start3A_70 : memref<128xi32, #tpu.memory_space<vmem>>) semaphore(%arg19 : memref<!tpu.dma_semaphore, #tpu.memory_space<semaphore_mem>>) {add = true}
    %add3A_74 = arith.constant 64 : i32
    %add3A_75 = arith.addi %add3A, %add3A_74 : i32
    %mul3A_76 = arith.constant 128 : i32
    %mul3A_77 = arith.muli %add3A_75, %mul3A_76 : i32
    %dma_wait3A_78 = arith.constant 0 : i32
    %dma_wait3A_79 = tpu.memref_slice %arg2[%dma_wait3A_78, %mul3A_77] : memref<2x320000xi32, #tpu.memory_space<hbm>> -> memref<2x128xi32, #tpu.memory_space<hbm>>
    %dma_wait3A_80 = arith.constant 0 : i32
    %dma_wait3A_81 = tpu.memref_slice %arg2[%dma_wait3A_80, %mul3A_77] : memref<2x320000xi32, #tpu.memory_space<hbm>> -> memref<2x128xi32, #tpu.memory_space<hbm>>
    tpu.wait_dma2 semaphore(%arg15 : memref<!tpu.dma_semaphore, #tpu.memory_space<semaphore_mem>>) src(%dma_wait3A_81 : memref<2x128xi32, #tpu.memory_space<hbm>>) dst(%arg9 : memref<2x128xi32, #tpu.memory_space<vmem>>)
    %dma_wait3A_82 = arith.constant 0 : i32
    %dma_wait3A_83 = arith.constant 0 : i32
    %dma_wait3A_84 = tpu.memref_slice %arg7[%dma_wait3A_82, %dma_wait3A_83] : memref<2x128xi32, #tpu.memory_space<vmem>> -> memref<1x128xi32, #tpu.memory_space<vmem>>
    %dma_wait3A_85 = tpu.memref_squeeze %dma_wait3A_84 : memref<1x128xi32, #tpu.memory_space<vmem>> -> memref<128xi32, #tpu.memory_space<vmem>>
    %dma_wait3A_86 = arith.constant 0 : i32
    %dma_wait3A_87 = arith.constant 0 : i32
    %dma_wait3A_88 = tpu.memref_slice %arg6[%dma_wait3A_86, %dma_wait3A_87] : memref<10112x128xf32, #tpu.memory_space<vmem_shared>> -> memref<10112x128xf32, #tpu.memory_space<vmem_shared>>
    tpu.wait_indirect_dma semaphore(%arg19 : memref<!tpu.dma_semaphore, #tpu.memory_space<semaphore_mem>>) src(%arg10 : memref<128x128xf32, #tpu.memory_space<vmem>>) dst(%dma_wait3A_88 : memref<10112x128xf32, #tpu.memory_space<vmem_shared>>)
    %dma_start3A_89 = arith.constant 1 : i32
    %dma_start3A_90 = arith.constant 0 : i32
    %dma_start3A_91 = tpu.memref_slice %arg9[%dma_start3A_89, %dma_start3A_90] : memref<2x128xi32, #tpu.memory_space<vmem>> -> memref<1x128xi32, #tpu.memory_space<vmem>>
    %dma_start3A_92 = tpu.memref_squeeze %dma_start3A_91 : memref<1x128xi32, #tpu.memory_space<vmem>> -> memref<128xi32, #tpu.memory_space<vmem>>
    %dma_start3A_93 = arith.constant 0 : i32
    %dma_start3A_94 = arith.constant 0 : i32
    %dma_start3A_95 = tpu.memref_slice %arg3[%dma_start3A_93, %dma_start3A_94] : memref<10000x128xf32, #tpu.memory_space<hbm>> -> memref<10000x128xf32, #tpu.memory_space<hbm>>
    tpu.enqueue_indirect_dma source(%dma_start3A_95 : memref<10000x128xf32, #tpu.memory_space<hbm>>) target(%arg12 : memref<128x128xf32, #tpu.memory_space<vmem>>) offsets(%dma_start3A_92 : memref<128xi32, #tpu.memory_space<vmem>>) semaphore(%arg18 : memref<!tpu.dma_semaphore, #tpu.memory_space<semaphore_mem>>)
    %add3A_96 = arith.constant 96 : i32
    %add3A_97 = arith.addi %add3A, %add3A_96 : i32
    %mul3A_98 = arith.constant 128 : i32
    %mul3A_99 = arith.muli %add3A_97, %mul3A_98 : i32
    %dma_start3A_100 = arith.constant 0 : i32
    %dma_start3A_101 = tpu.memref_slice %arg2[%dma_start3A_100, %mul3A_99] : memref<2x320000xi32, #tpu.memory_space<hbm>> -> memref<2x128xi32, #tpu.memory_space<hbm>>
    %dma_start3A_102 = arith.constant 0 : i32
    %dma_start3A_103 = tpu.memref_slice %arg2[%dma_start3A_102, %mul3A_99] : memref<2x320000xi32, #tpu.memory_space<hbm>> -> memref<2x128xi32, #tpu.memory_space<hbm>>
    tpu.enqueue_dma source(%dma_start3A_103 : memref<2x128xi32, #tpu.memory_space<hbm>>) target(%arg7 : memref<2x128xi32, #tpu.memory_space<vmem>>) target_semaphore(%arg13 : memref<!tpu.dma_semaphore, #tpu.memory_space<semaphore_mem>>)
    %dma_wait3A_104 = arith.constant 1 : i32
    %dma_wait3A_105 = arith.constant 0 : i32
    %dma_wait3A_106 = tpu.memref_slice %arg8[%dma_wait3A_104, %dma_wait3A_105] : memref<2x128xi32, #tpu.memory_space<vmem>> -> memref<1x128xi32, #tpu.memory_space<vmem>>
    %dma_wait3A_107 = tpu.memref_squeeze %dma_wait3A_106 : memref<1x128xi32, #tpu.memory_space<vmem>> -> memref<128xi32, #tpu.memory_space<vmem>>
    %dma_wait3A_108 = arith.constant 0 : i32
    %dma_wait3A_109 = arith.constant 0 : i32
    %dma_wait3A_110 = tpu.memref_slice %arg3[%dma_wait3A_108, %dma_wait3A_109] : memref<10000x128xf32, #tpu.memory_space<hbm>> -> memref<10000x128xf32, #tpu.memory_space<hbm>>
    tpu.wait_indirect_dma semaphore(%arg17 : memref<!tpu.dma_semaphore, #tpu.memory_space<semaphore_mem>>) src(%dma_wait3A_110 : memref<10000x128xf32, #tpu.memory_space<hbm>>) dst(%arg11 : memref<128x128xf32, #tpu.memory_space<vmem>>)
    %dma_start3A_111 = arith.constant 0 : i32
    %dma_start3A_112 = arith.constant 0 : i32
    %dma_start3A_113 = tpu.memref_slice %arg8[%dma_start3A_111, %dma_start3A_112] : memref<2x128xi32, #tpu.memory_space<vmem>> -> memref<1x128xi32, #tpu.memory_space<vmem>>
    %dma_start3A_114 = tpu.memref_squeeze %dma_start3A_113 : memref<1x128xi32, #tpu.memory_space<vmem>> -> memref<128xi32, #tpu.memory_space<vmem>>
    %dma_start3A_115 = arith.constant 0 : i32
    %dma_start3A_116 = arith.constant 0 : i32
    %dma_start3A_117 = tpu.memref_slice %arg6[%dma_start3A_115, %dma_start3A_116] : memref<10112x128xf32, #tpu.memory_space<vmem_shared>> -> memref<10112x128xf32, #tpu.memory_space<vmem_shared>>
    tpu.enqueue_indirect_dma source(%arg11 : memref<128x128xf32, #tpu.memory_space<vmem>>) target(%dma_start3A_117 : memref<10112x128xf32, #tpu.memory_space<vmem_shared>>) offsets(%dma_start3A_114 : memref<128xi32, #tpu.memory_space<vmem>>) semaphore(%arg20 : memref<!tpu.dma_semaphore, #tpu.memory_space<semaphore_mem>>) {add = true}
    %add3A_118 = arith.constant 96 : i32
    %add3A_119 = arith.addi %add3A, %add3A_118 : i32
    %mul3A_120 = arith.constant 128 : i32
    %mul3A_121 = arith.muli %add3A_119, %mul3A_120 : i32
    %dma_wait3A_122 = arith.constant 0 : i32
    %dma_wait3A_123 = tpu.memref_slice %arg2[%dma_wait3A_122, %mul3A_121] : memref<2x320000xi32, #tpu.memory_space<hbm>> -> memref<2x128xi32, #tpu.memory_space<hbm>>
    %dma_wait3A_124 = arith.constant 0 : i32
    %dma_wait3A_125 = tpu.memref_slice %arg2[%dma_wait3A_124, %mul3A_121] : memref<2x320000xi32, #tpu.memory_space<hbm>> -> memref<2x128xi32, #tpu.memory_space<hbm>>
    tpu.wait_dma2 semaphore(%arg13 : memref<!tpu.dma_semaphore, #tpu.memory_space<semaphore_mem>>) src(%dma_wait3A_125 : memref<2x128xi32, #tpu.memory_space<hbm>>) dst(%arg7 : memref<2x128xi32, #tpu.memory_space<vmem>>)
    %dma_wait3A_126 = arith.constant 0 : i32
    %dma_wait3A_127 = arith.constant 0 : i32
    %dma_wait3A_128 = tpu.memref_slice %arg8[%dma_wait3A_126, %dma_wait3A_127] : memref<2x128xi32, #tpu.memory_space<vmem>> -> memref<1x128xi32, #tpu.memory_space<vmem>>
    %dma_wait3A_129 = tpu.memref_squeeze %dma_wait3A_128 : memref<1x128xi32, #tpu.memory_space<vmem>> -> memref<128xi32, #tpu.memory_space<vmem>>
    %dma_wait3A_130 = arith.constant 0 : i32
    %dma_wait3A_131 = arith.constant 0 : i32
    %dma_wait3A_132 = tpu.memref_slice %arg6[%dma_wait3A_130, %dma_wait3A_131] : memref<10112x128xf32, #tpu.memory_space<vmem_shared>> -> memref<10112x128xf32, #tpu.memory_space<vmem_shared>>
    tpu.wait_indirect_dma semaphore(%arg20 : memref<!tpu.dma_semaphore, #tpu.memory_space<semaphore_mem>>) src(%arg11 : memref<128x128xf32, #tpu.memory_space<vmem>>) dst(%dma_wait3A_132 : memref<10112x128xf32, #tpu.memory_space<vmem_shared>>)
    %dma_start3A_133 = arith.constant 1 : i32
    %dma_start3A_134 = arith.constant 0 : i32
    %dma_start3A_135 = tpu.memref_slice %arg7[%dma_start3A_133, %dma_start3A_134] : memref<2x128xi32, #tpu.memory_space<vmem>> -> memref<1x128xi32, #tpu.memory_space<vmem>>
    %dma_start3A_136 = tpu.memref_squeeze %dma_start3A_135 : memref<1x128xi32, #tpu.memory_space<vmem>> -> memref<128xi32, #tpu.memory_space<vmem>>
    %dma_start3A_137 = arith.constant 0 : i32
    %dma_start3A_138 = arith.constant 0 : i32
    %dma_start3A_139 = tpu.memref_slice %arg3[%dma_start3A_137, %dma_start3A_138] : memref<10000x128xf32, #tpu.memory_space<hbm>> -> memref<10000x128xf32, #tpu.memory_space<hbm>>
    tpu.enqueue_indirect_dma source(%dma_start3A_139 : memref<10000x128xf32, #tpu.memory_space<hbm>>) target(%arg10 : memref<128x128xf32, #tpu.memory_space<vmem>>) offsets(%dma_start3A_136 : memref<128xi32, #tpu.memory_space<vmem>>) semaphore(%arg16 : memref<!tpu.dma_semaphore, #tpu.memory_space<semaphore_mem>>)
    %add3A_140 = arith.constant 128 : i32
    %add3A_141 = arith.addi %add3A, %add3A_140 : i32
    %mul3A_142 = arith.constant 128 : i32
    %mul3A_143 = arith.muli %add3A_141, %mul3A_142 : i32
    %dma_start3A_144 = arith.constant 0 : i32
    %dma_start3A_145 = tpu.memref_slice %arg2[%dma_start3A_144, %mul3A_143] : memref<2x320000xi32, #tpu.memory_space<hbm>> -> memref<2x128xi32, #tpu.memory_space<hbm>>
    %dma_start3A_146 = arith.constant 0 : i32
    %dma_start3A_147 = tpu.memref_slice %arg2[%dma_start3A_146, %mul3A_143] : memref<2x320000xi32, #tpu.memory_space<hbm>> -> memref<2x128xi32, #tpu.memory_space<hbm>>
    tpu.enqueue_dma source(%dma_start3A_147 : memref<2x128xi32, #tpu.memory_space<hbm>>) target(%arg8 : memref<2x128xi32, #tpu.memory_space<vmem>>) target_semaphore(%arg14 : memref<!tpu.dma_semaphore, #tpu.memory_space<semaphore_mem>>)
    %dma_wait3A_148 = arith.constant 1 : i32
    %dma_wait3A_149 = arith.constant 0 : i32
    %dma_wait3A_150 = tpu.memref_slice %arg9[%dma_wait3A_148, %dma_wait3A_149] : memref<2x128xi32, #tpu.memory_space<vmem>> -> memref<1x128xi32, #tpu.memory_space<vmem>>
    %dma_wait3A_151 = tpu.memref_squeeze %dma_wait3A_150 : memref<1x128xi32, #tpu.memory_space<vmem>> -> memref<128xi32, #tpu.memory_space<vmem>>
    %dma_wait3A_152 = arith.constant 0 : i32
    %dma_wait3A_153 = arith.constant 0 : i32
    %dma_wait3A_154 = tpu.memref_slice %arg3[%dma_wait3A_152, %dma_wait3A_153] : memref<10000x128xf32, #tpu.memory_space<hbm>> -> memref<10000x128xf32, #tpu.memory_space<hbm>>
    tpu.wait_indirect_dma semaphore(%arg18 : memref<!tpu.dma_semaphore, #tpu.memory_space<semaphore_mem>>) src(%dma_wait3A_154 : memref<10000x128xf32, #tpu.memory_space<hbm>>) dst(%arg12 : memref<128x128xf32, #tpu.memory_space<vmem>>)
    %dma_start3A_155 = arith.constant 0 : i32
    %dma_start3A_156 = arith.constant 0 : i32
    %dma_start3A_157 = tpu.memref_slice %arg9[%dma_start3A_155, %dma_start3A_156] : memref<2x128xi32, #tpu.memory_space<vmem>> -> memref<1x128xi32, #tpu.memory_space<vmem>>
    %dma_start3A_158 = tpu.memref_squeeze %dma_start3A_157 : memref<1x128xi32, #tpu.memory_space<vmem>> -> memref<128xi32, #tpu.memory_space<vmem>>
    %dma_start3A_159 = arith.constant 0 : i32
    %dma_start3A_160 = arith.constant 0 : i32
    %dma_start3A_161 = tpu.memref_slice %arg6[%dma_start3A_159, %dma_start3A_160] : memref<10112x128xf32, #tpu.memory_space<vmem_shared>> -> memref<10112x128xf32, #tpu.memory_space<vmem_shared>>
    tpu.enqueue_indirect_dma source(%arg12 : memref<128x128xf32, #tpu.memory_space<vmem>>) target(%dma_start3A_161 : memref<10112x128xf32, #tpu.memory_space<vmem_shared>>) offsets(%dma_start3A_158 : memref<128xi32, #tpu.memory_space<vmem>>) semaphore(%arg21 : memref<!tpu.dma_semaphore, #tpu.memory_space<semaphore_mem>>) {add = true}
    %scan3A = arith.constant 0 : i32
    %scan3A_162 = arith.constant 1 : i32
    %scan3A_163 = arith.constant 24 : i32
    %scan3A_164 = arith.addi %scan3A_162, %scan3A_163 : i32
    %scan3A_165 = arith.constant 1 : i32
    scf.for %scan3A_284 = %scan3A_162 to %scan3A_164 step %scan3A_165  : i32 {
      %mul3A_285 = arith.constant 3 : i32
      %mul3A_286 = arith.muli %mul3A_285, %scan3A_284 : i32
      %add3A_287 = arith.constant 1 : i32
      %add3A_288 = arith.addi %mul3A_286, %add3A_287 : i32
      %mul3A_289 = arith.constant 32 : i32
      %mul3A_290 = arith.muli %mul3A_289, %add3A_288 : i32
      %add3A_291 = arith.addi %add3A, %mul3A_290 : i32
      %mul3A_292 = arith.constant 128 : i32
      %mul3A_293 = arith.muli %add3A_291, %mul3A_292 : i32
      %dma_wait3A_294 = arith.constant 0 : i32
      %dma_wait3A_295 = tpu.memref_slice %arg2[%dma_wait3A_294, %mul3A_293] : memref<2x320000xi32, #tpu.memory_space<hbm>> -> memref<2x128xi32, #tpu.memory_space<hbm>>
      %dma_wait3A_296 = arith.constant 0 : i32
      %dma_wait3A_297 = tpu.memref_slice %arg2[%dma_wait3A_296, %mul3A_293] : memref<2x320000xi32, #tpu.memory_space<hbm>> -> memref<2x128xi32, #tpu.memory_space<hbm>>
      tpu.wait_dma2 semaphore(%arg14 : memref<!tpu.dma_semaphore, #tpu.memory_space<semaphore_mem>>) src(%dma_wait3A_297 : memref<2x128xi32, #tpu.memory_space<hbm>>) dst(%arg8 : memref<2x128xi32, #tpu.memory_space<vmem>>)
      %dma_wait3A_298 = arith.constant 0 : i32
      %dma_wait3A_299 = arith.constant 0 : i32
      %dma_wait3A_300 = tpu.memref_slice %arg9[%dma_wait3A_298, %dma_wait3A_299] : memref<2x128xi32, #tpu.memory_space<vmem>> -> memref<1x128xi32, #tpu.memory_space<vmem>>
      %dma_wait3A_301 = tpu.memref_squeeze %dma_wait3A_300 : memref<1x128xi32, #tpu.memory_space<vmem>> -> memref<128xi32, #tpu.memory_space<vmem>>
      %dma_wait3A_302 = arith.constant 0 : i32
      %dma_wait3A_303 = arith.constant 0 : i32
      %dma_wait3A_304 = tpu.memref_slice %arg6[%dma_wait3A_302, %dma_wait3A_303] : memref<10112x128xf32, #tpu.memory_space<vmem_shared>> -> memref<10112x128xf32, #tpu.memory_space<vmem_shared>>
      tpu.wait_indirect_dma semaphore(%arg21 : memref<!tpu.dma_semaphore, #tpu.memory_space<semaphore_mem>>) src(%arg12 : memref<128x128xf32, #tpu.memory_space<vmem>>) dst(%dma_wait3A_304 : memref<10112x128xf32, #tpu.memory_space<vmem_shared>>)
      %dma_start3A_305 = arith.constant 1 : i32
      %dma_start3A_306 = arith.constant 0 : i32
      %dma_start3A_307 = tpu.memref_slice %arg8[%dma_start3A_305, %dma_start3A_306] : memref<2x128xi32, #tpu.memory_space<vmem>> -> memref<1x128xi32, #tpu.memory_space<vmem>>
      %dma_start3A_308 = tpu.memref_squeeze %dma_start3A_307 : memref<1x128xi32, #tpu.memory_space<vmem>> -> memref<128xi32, #tpu.memory_space<vmem>>
      %dma_start3A_309 = arith.constant 0 : i32
      %dma_start3A_310 = arith.constant 0 : i32
      %dma_start3A_311 = tpu.memref_slice %arg3[%dma_start3A_309, %dma_start3A_310] : memref<10000x128xf32, #tpu.memory_space<hbm>> -> memref<10000x128xf32, #tpu.memory_space<hbm>>
      tpu.enqueue_indirect_dma source(%dma_start3A_311 : memref<10000x128xf32, #tpu.memory_space<hbm>>) target(%arg11 : memref<128x128xf32, #tpu.memory_space<vmem>>) offsets(%dma_start3A_308 : memref<128xi32, #tpu.memory_space<vmem>>) semaphore(%arg17 : memref<!tpu.dma_semaphore, #tpu.memory_space<semaphore_mem>>)
      %add3A_312 = arith.constant 2 : i32
      %add3A_313 = arith.addi %mul3A_286, %add3A_312 : i32
      %mul3A_314 = arith.constant 32 : i32
      %mul3A_315 = arith.muli %mul3A_314, %add3A_313 : i32
      %add3A_316 = arith.addi %add3A, %mul3A_315 : i32
      %mul3A_317 = arith.constant 128 : i32
      %mul3A_318 = arith.muli %add3A_316, %mul3A_317 : i32
      %dma_start3A_319 = arith.constant 0 : i32
      %dma_start3A_320 = tpu.memref_slice %arg2[%dma_start3A_319, %mul3A_318] : memref<2x320000xi32, #tpu.memory_space<hbm>> -> memref<2x128xi32, #tpu.memory_space<hbm>>
      %dma_start3A_321 = arith.constant 0 : i32
      %dma_start3A_322 = tpu.memref_slice %arg2[%dma_start3A_321, %mul3A_318] : memref<2x320000xi32, #tpu.memory_space<hbm>> -> memref<2x128xi32, #tpu.memory_space<hbm>>
      tpu.enqueue_dma source(%dma_start3A_322 : memref<2x128xi32, #tpu.memory_space<hbm>>) target(%arg9 : memref<2x128xi32, #tpu.memory_space<vmem>>) target_semaphore(%arg15 : memref<!tpu.dma_semaphore, #tpu.memory_space<semaphore_mem>>)
      %dma_wait3A_323 = arith.constant 1 : i32
      %dma_wait3A_324 = arith.constant 0 : i32
      %dma_wait3A_325 = tpu.memref_slice %arg7[%dma_wait3A_323, %dma_wait3A_324] : memref<2x128xi32, #tpu.memory_space<vmem>> -> memref<1x128xi32, #tpu.memory_space<vmem>>
      %dma_wait3A_326 = tpu.memref_squeeze %dma_wait3A_325 : memref<1x128xi32, #tpu.memory_space<vmem>> -> memref<128xi32, #tpu.memory_space<vmem>>
      %dma_wait3A_327 = arith.constant 0 : i32
      %dma_wait3A_328 = arith.constant 0 : i32
      %dma_wait3A_329 = tpu.memref_slice %arg3[%dma_wait3A_327, %dma_wait3A_328] : memref<10000x128xf32, #tpu.memory_space<hbm>> -> memref<10000x128xf32, #tpu.memory_space<hbm>>
      tpu.wait_indirect_dma semaphore(%arg16 : memref<!tpu.dma_semaphore, #tpu.memory_space<semaphore_mem>>) src(%dma_wait3A_329 : memref<10000x128xf32, #tpu.memory_space<hbm>>) dst(%arg10 : memref<128x128xf32, #tpu.memory_space<vmem>>)
      %dma_start3A_330 = arith.constant 0 : i32
      %dma_start3A_331 = arith.constant 0 : i32
      %dma_start3A_332 = tpu.memref_slice %arg7[%dma_start3A_330, %dma_start3A_331] : memref<2x128xi32, #tpu.memory_space<vmem>> -> memref<1x128xi32, #tpu.memory_space<vmem>>
      %dma_start3A_333 = tpu.memref_squeeze %dma_start3A_332 : memref<1x128xi32, #tpu.memory_space<vmem>> -> memref<128xi32, #tpu.memory_space<vmem>>
      %dma_start3A_334 = arith.constant 0 : i32
      %dma_start3A_335 = arith.constant 0 : i32
      %dma_start3A_336 = tpu.memref_slice %arg6[%dma_start3A_334, %dma_start3A_335] : memref<10112x128xf32, #tpu.memory_space<vmem_shared>> -> memref<10112x128xf32, #tpu.memory_space<vmem_shared>>
      tpu.enqueue_indirect_dma source(%arg10 : memref<128x128xf32, #tpu.memory_space<vmem>>) target(%dma_start3A_336 : memref<10112x128xf32, #tpu.memory_space<vmem_shared>>) offsets(%dma_start3A_333 : memref<128xi32, #tpu.memory_space<vmem>>) semaphore(%arg19 : memref<!tpu.dma_semaphore, #tpu.memory_space<semaphore_mem>>) {add = true}
      %add3A_337 = arith.constant 1 : i32
      %add3A_338 = arith.addi %mul3A_286, %add3A_337 : i32
      %add3A_339 = arith.constant 1 : i32
      %add3A_340 = arith.addi %add3A_338, %add3A_339 : i32
      %mul3A_341 = arith.constant 32 : i32
      %mul3A_342 = arith.muli %mul3A_341, %add3A_340 : i32
      %add3A_343 = arith.addi %add3A, %mul3A_342 : i32
      %mul3A_344 = arith.constant 128 : i32
      %mul3A_345 = arith.muli %add3A_343, %mul3A_344 : i32
      %dma_wait3A_346 = arith.constant 0 : i32
      %dma_wait3A_347 = tpu.memref_slice %arg2[%dma_wait3A_346, %mul3A_345] : memref<2x320000xi32, #tpu.memory_space<hbm>> -> memref<2x128xi32, #tpu.memory_space<hbm>>
      %dma_wait3A_348 = arith.constant 0 : i32
      %dma_wait3A_349 = tpu.memref_slice %arg2[%dma_wait3A_348, %mul3A_345] : memref<2x320000xi32, #tpu.memory_space<hbm>> -> memref<2x128xi32, #tpu.memory_space<hbm>>
      tpu.wait_dma2 semaphore(%arg15 : memref<!tpu.dma_semaphore, #tpu.memory_space<semaphore_mem>>) src(%dma_wait3A_349 : memref<2x128xi32, #tpu.memory_space<hbm>>) dst(%arg9 : memref<2x128xi32, #tpu.memory_space<vmem>>)
      %dma_wait3A_350 = arith.constant 0 : i32
      %dma_wait3A_351 = arith.constant 0 : i32
      %dma_wait3A_352 = tpu.memref_slice %arg7[%dma_wait3A_350, %dma_wait3A_351] : memref<2x128xi32, #tpu.memory_space<vmem>> -> memref<1x128xi32, #tpu.memory_space<vmem>>
      %dma_wait3A_353 = tpu.memref_squeeze %dma_wait3A_352 : memref<1x128xi32, #tpu.memory_space<vmem>> -> memref<128xi32, #tpu.memory_space<vmem>>
      %dma_wait3A_354 = arith.constant 0 : i32
      %dma_wait3A_355 = arith.constant 0 : i32
      %dma_wait3A_356 = tpu.memref_slice %arg6[%dma_wait3A_354, %dma_wait3A_355] : memref<10112x128xf32, #tpu.memory_space<vmem_shared>> -> memref<10112x128xf32, #tpu.memory_space<vmem_shared>>
      tpu.wait_indirect_dma semaphore(%arg19 : memref<!tpu.dma_semaphore, #tpu.memory_space<semaphore_mem>>) src(%arg10 : memref<128x128xf32, #tpu.memory_space<vmem>>) dst(%dma_wait3A_356 : memref<10112x128xf32, #tpu.memory_space<vmem_shared>>)
      %dma_start3A_357 = arith.constant 1 : i32
      %dma_start3A_358 = arith.constant 0 : i32
      %dma_start3A_359 = tpu.memref_slice %arg9[%dma_start3A_357, %dma_start3A_358] : memref<2x128xi32, #tpu.memory_space<vmem>> -> memref<1x128xi32, #tpu.memory_space<vmem>>
      %dma_start3A_360 = tpu.memref_squeeze %dma_start3A_359 : memref<1x128xi32, #tpu.memory_space<vmem>> -> memref<128xi32, #tpu.memory_space<vmem>>
      %dma_start3A_361 = arith.constant 0 : i32
      %dma_start3A_362 = arith.constant 0 : i32
      %dma_start3A_363 = tpu.memref_slice %arg3[%dma_start3A_361, %dma_start3A_362] : memref<10000x128xf32, #tpu.memory_space<hbm>> -> memref<10000x128xf32, #tpu.memory_space<hbm>>
      tpu.enqueue_indirect_dma source(%dma_start3A_363 : memref<10000x128xf32, #tpu.memory_space<hbm>>) target(%arg12 : memref<128x128xf32, #tpu.memory_space<vmem>>) offsets(%dma_start3A_360 : memref<128xi32, #tpu.memory_space<vmem>>) semaphore(%arg18 : memref<!tpu.dma_semaphore, #tpu.memory_space<semaphore_mem>>)
      %add3A_364 = arith.constant 2 : i32
      %add3A_365 = arith.addi %add3A_338, %add3A_364 : i32
      %mul3A_366 = arith.constant 32 : i32
      %mul3A_367 = arith.muli %mul3A_366, %add3A_365 : i32
      %add3A_368 = arith.addi %add3A, %mul3A_367 : i32
      %mul3A_369 = arith.constant 128 : i32
      %mul3A_370 = arith.muli %add3A_368, %mul3A_369 : i32
      %dma_start3A_371 = arith.constant 0 : i32
      %dma_start3A_372 = tpu.memref_slice %arg2[%dma_start3A_371, %mul3A_370] : memref<2x320000xi32, #tpu.memory_space<hbm>> -> memref<2x128xi32, #tpu.memory_space<hbm>>
      %dma_start3A_373 = arith.constant 0 : i32
      %dma_start3A_374 = tpu.memref_slice %arg2[%dma_start3A_373, %mul3A_370] : memref<2x320000xi32, #tpu.memory_space<hbm>> -> memref<2x128xi32, #tpu.memory_space<hbm>>
      tpu.enqueue_dma source(%dma_start3A_374 : memref<2x128xi32, #tpu.memory_space<hbm>>) target(%arg7 : memref<2x128xi32, #tpu.memory_space<vmem>>) target_semaphore(%arg13 : memref<!tpu.dma_semaphore, #tpu.memory_space<semaphore_mem>>)
      %dma_wait3A_375 = arith.constant 1 : i32
      %dma_wait3A_376 = arith.constant 0 : i32
      %dma_wait3A_377 = tpu.memref_slice %arg8[%dma_wait3A_375, %dma_wait3A_376] : memref<2x128xi32, #tpu.memory_space<vmem>> -> memref<1x128xi32, #tpu.memory_space<vmem>>
      %dma_wait3A_378 = tpu.memref_squeeze %dma_wait3A_377 : memref<1x128xi32, #tpu.memory_space<vmem>> -> memref<128xi32, #tpu.memory_space<vmem>>
      %dma_wait3A_379 = arith.constant 0 : i32
      %dma_wait3A_380 = arith.constant 0 : i32
      %dma_wait3A_381 = tpu.memref_slice %arg3[%dma_wait3A_379, %dma_wait3A_380] : memref<10000x128xf32, #tpu.memory_space<hbm>> -> memref<10000x128xf32, #tpu.memory_space<hbm>>
      tpu.wait_indirect_dma semaphore(%arg17 : memref<!tpu.dma_semaphore, #tpu.memory_space<semaphore_mem>>) src(%dma_wait3A_381 : memref<10000x128xf32, #tpu.memory_space<hbm>>) dst(%arg11 : memref<128x128xf32, #tpu.memory_space<vmem>>)
      %dma_start3A_382 = arith.constant 0 : i32
      %dma_start3A_383 = arith.constant 0 : i32
      %dma_start3A_384 = tpu.memref_slice %arg8[%dma_start3A_382, %dma_start3A_383] : memref<2x128xi32, #tpu.memory_space<vmem>> -> memref<1x128xi32, #tpu.memory_space<vmem>>
      %dma_start3A_385 = tpu.memref_squeeze %dma_start3A_384 : memref<1x128xi32, #tpu.memory_space<vmem>> -> memref<128xi32, #tpu.memory_space<vmem>>
      %dma_start3A_386 = arith.constant 0 : i32
      %dma_start3A_387 = arith.constant 0 : i32
      %dma_start3A_388 = tpu.memref_slice %arg6[%dma_start3A_386, %dma_start3A_387] : memref<10112x128xf32, #tpu.memory_space<vmem_shared>> -> memref<10112x128xf32, #tpu.memory_space<vmem_shared>>
      tpu.enqueue_indirect_dma source(%arg11 : memref<128x128xf32, #tpu.memory_space<vmem>>) target(%dma_start3A_388 : memref<10112x128xf32, #tpu.memory_space<vmem_shared>>) offsets(%dma_start3A_385 : memref<128xi32, #tpu.memory_space<vmem>>) semaphore(%arg20 : memref<!tpu.dma_semaphore, #tpu.memory_space<semaphore_mem>>) {add = true}
      %add3A_389 = arith.constant 2 : i32
      %add3A_390 = arith.addi %mul3A_286, %add3A_389 : i32
      %add3A_391 = arith.constant 1 : i32
      %add3A_392 = arith.addi %add3A_390, %add3A_391 : i32
      %mul3A_393 = arith.constant 32 : i32
      %mul3A_394 = arith.muli %mul3A_393, %add3A_392 : i32
      %add3A_395 = arith.addi %add3A, %mul3A_394 : i32
      %mul3A_396 = arith.constant 128 : i32
      %mul3A_397 = arith.muli %add3A_395, %mul3A_396 : i32
      %dma_wait3A_398 = arith.constant 0 : i32
      %dma_wait3A_399 = tpu.memref_slice %arg2[%dma_wait3A_398, %mul3A_397] : memref<2x320000xi32, #tpu.memory_space<hbm>> -> memref<2x128xi32, #tpu.memory_space<hbm>>
      %dma_wait3A_400 = arith.constant 0 : i32
      %dma_wait3A_401 = tpu.memref_slice %arg2[%dma_wait3A_400, %mul3A_397] : memref<2x320000xi32, #tpu.memory_space<hbm>> -> memref<2x128xi32, #tpu.memory_space<hbm>>
      tpu.wait_dma2 semaphore(%arg13 : memref<!tpu.dma_semaphore, #tpu.memory_space<semaphore_mem>>) src(%dma_wait3A_401 : memref<2x128xi32, #tpu.memory_space<hbm>>) dst(%arg7 : memref<2x128xi32, #tpu.memory_space<vmem>>)
      %dma_wait3A_402 = arith.constant 0 : i32
      %dma_wait3A_403 = arith.constant 0 : i32
      %dma_wait3A_404 = tpu.memref_slice %arg8[%dma_wait3A_402, %dma_wait3A_403] : memref<2x128xi32, #tpu.memory_space<vmem>> -> memref<1x128xi32, #tpu.memory_space<vmem>>
      %dma_wait3A_405 = tpu.memref_squeeze %dma_wait3A_404 : memref<1x128xi32, #tpu.memory_space<vmem>> -> memref<128xi32, #tpu.memory_space<vmem>>
      %dma_wait3A_406 = arith.constant 0 : i32
      %dma_wait3A_407 = arith.constant 0 : i32
      %dma_wait3A_408 = tpu.memref_slice %arg6[%dma_wait3A_406, %dma_wait3A_407] : memref<10112x128xf32, #tpu.memory_space<vmem_shared>> -> memref<10112x128xf32, #tpu.memory_space<vmem_shared>>
      tpu.wait_indirect_dma semaphore(%arg20 : memref<!tpu.dma_semaphore, #tpu.memory_space<semaphore_mem>>) src(%arg11 : memref<128x128xf32, #tpu.memory_space<vmem>>) dst(%dma_wait3A_408 : memref<10112x128xf32, #tpu.memory_space<vmem_shared>>)
      %dma_start3A_409 = arith.constant 1 : i32
      %dma_start3A_410 = arith.constant 0 : i32
      %dma_start3A_411 = tpu.memref_slice %arg7[%dma_start3A_409, %dma_start3A_410] : memref<2x128xi32, #tpu.memory_space<vmem>> -> memref<1x128xi32, #tpu.memory_space<vmem>>
      %dma_start3A_412 = tpu.memref_squeeze %dma_start3A_411 : memref<1x128xi32, #tpu.memory_space<vmem>> -> memref<128xi32, #tpu.memory_space<vmem>>
      %dma_start3A_413 = arith.constant 0 : i32
      %dma_start3A_414 = arith.constant 0 : i32
      %dma_start3A_415 = tpu.memref_slice %arg3[%dma_start3A_413, %dma_start3A_414] : memref<10000x128xf32, #tpu.memory_space<hbm>> -> memref<10000x128xf32, #tpu.memory_space<hbm>>
      tpu.enqueue_indirect_dma source(%dma_start3A_415 : memref<10000x128xf32, #tpu.memory_space<hbm>>) target(%arg10 : memref<128x128xf32, #tpu.memory_space<vmem>>) offsets(%dma_start3A_412 : memref<128xi32, #tpu.memory_space<vmem>>) semaphore(%arg16 : memref<!tpu.dma_semaphore, #tpu.memory_space<semaphore_mem>>)
      %add3A_416 = arith.constant 2 : i32
      %add3A_417 = arith.addi %add3A_390, %add3A_416 : i32
      %mul3A_418 = arith.constant 32 : i32
      %mul3A_419 = arith.muli %mul3A_418, %add3A_417 : i32
      %add3A_420 = arith.addi %add3A, %mul3A_419 : i32
      %mul3A_421 = arith.constant 128 : i32
      %mul3A_422 = arith.muli %add3A_420, %mul3A_421 : i32
      %dma_start3A_423 = arith.constant 0 : i32
      %dma_start3A_424 = tpu.memref_slice %arg2[%dma_start3A_423, %mul3A_422] : memref<2x320000xi32, #tpu.memory_space<hbm>> -> memref<2x128xi32, #tpu.memory_space<hbm>>
      %dma_start3A_425 = arith.constant 0 : i32
      %dma_start3A_426 = tpu.memref_slice %arg2[%dma_start3A_425, %mul3A_422] : memref<2x320000xi32, #tpu.memory_space<hbm>> -> memref<2x128xi32, #tpu.memory_space<hbm>>
      tpu.enqueue_dma source(%dma_start3A_426 : memref<2x128xi32, #tpu.memory_space<hbm>>) target(%arg8 : memref<2x128xi32, #tpu.memory_space<vmem>>) target_semaphore(%arg14 : memref<!tpu.dma_semaphore, #tpu.memory_space<semaphore_mem>>)
      %dma_wait3A_427 = arith.constant 1 : i32
      %dma_wait3A_428 = arith.constant 0 : i32
      %dma_wait3A_429 = tpu.memref_slice %arg9[%dma_wait3A_427, %dma_wait3A_428] : memref<2x128xi32, #tpu.memory_space<vmem>> -> memref<1x128xi32, #tpu.memory_space<vmem>>
      %dma_wait3A_430 = tpu.memref_squeeze %dma_wait3A_429 : memref<1x128xi32, #tpu.memory_space<vmem>> -> memref<128xi32, #tpu.memory_space<vmem>>
      %dma_wait3A_431 = arith.constant 0 : i32
      %dma_wait3A_432 = arith.constant 0 : i32
      %dma_wait3A_433 = tpu.memref_slice %arg3[%dma_wait3A_431, %dma_wait3A_432] : memref<10000x128xf32, #tpu.memory_space<hbm>> -> memref<10000x128xf32, #tpu.memory_space<hbm>>
      tpu.wait_indirect_dma semaphore(%arg18 : memref<!tpu.dma_semaphore, #tpu.memory_space<semaphore_mem>>) src(%dma_wait3A_433 : memref<10000x128xf32, #tpu.memory_space<hbm>>) dst(%arg12 : memref<128x128xf32, #tpu.memory_space<vmem>>)
      %dma_start3A_434 = arith.constant 0 : i32
      %dma_start3A_435 = arith.constant 0 : i32
      %dma_start3A_436 = tpu.memref_slice %arg9[%dma_start3A_434, %dma_start3A_435] : memref<2x128xi32, #tpu.memory_space<vmem>> -> memref<1x128xi32, #tpu.memory_space<vmem>>
      %dma_start3A_437 = tpu.memref_squeeze %dma_start3A_436 : memref<1x128xi32, #tpu.memory_space<vmem>> -> memref<128xi32, #tpu.memory_space<vmem>>
      %dma_start3A_438 = arith.constant 0 : i32
      %dma_start3A_439 = arith.constant 0 : i32
      %dma_start3A_440 = tpu.memref_slice %arg6[%dma_start3A_438, %dma_start3A_439] : memref<10112x128xf32, #tpu.memory_space<vmem_shared>> -> memref<10112x128xf32, #tpu.memory_space<vmem_shared>>
      tpu.enqueue_indirect_dma source(%arg12 : memref<128x128xf32, #tpu.memory_space<vmem>>) target(%dma_start3A_440 : memref<10112x128xf32, #tpu.memory_space<vmem_shared>>) offsets(%dma_start3A_437 : memref<128xi32, #tpu.memory_space<vmem>>) semaphore(%arg21 : memref<!tpu.dma_semaphore, #tpu.memory_space<semaphore_mem>>) {add = true}
    }
    %scan3A_166 = arith.constant 24 : i32
    %add3A_167 = arith.constant 2432 : i32
    %add3A_168 = arith.addi %add3A, %add3A_167 : i32
    %mul3A_169 = arith.constant 128 : i32
    %mul3A_170 = arith.muli %add3A_168, %mul3A_169 : i32
    %dma_wait3A_171 = arith.constant 0 : i32
    %dma_wait3A_172 = tpu.memref_slice %arg2[%dma_wait3A_171, %mul3A_170] : memref<2x320000xi32, #tpu.memory_space<hbm>> -> memref<2x128xi32, #tpu.memory_space<hbm>>
    %dma_wait3A_173 = arith.constant 0 : i32
    %dma_wait3A_174 = tpu.memref_slice %arg2[%dma_wait3A_173, %mul3A_170] : memref<2x320000xi32, #tpu.memory_space<hbm>> -> memref<2x128xi32, #tpu.memory_space<hbm>>
    tpu.wait_dma2 semaphore(%arg14 : memref<!tpu.dma_semaphore, #tpu.memory_space<semaphore_mem>>) src(%dma_wait3A_174 : memref<2x128xi32, #tpu.memory_space<hbm>>) dst(%arg8 : memref<2x128xi32, #tpu.memory_space<vmem>>)
    %dma_wait3A_175 = arith.constant 0 : i32
    %dma_wait3A_176 = arith.constant 0 : i32
    %dma_wait3A_177 = tpu.memref_slice %arg9[%dma_wait3A_175, %dma_wait3A_176] : memref<2x128xi32, #tpu.memory_space<vmem>> -> memref<1x128xi32, #tpu.memory_space<vmem>>
    %dma_wait3A_178 = tpu.memref_squeeze %dma_wait3A_177 : memref<1x128xi32, #tpu.memory_space<vmem>> -> memref<128xi32, #tpu.memory_space<vmem>>
    %dma_wait3A_179 = arith.constant 0 : i32
    %dma_wait3A_180 = arith.constant 0 : i32
    %dma_wait3A_181 = tpu.memref_slice %arg6[%dma_wait3A_179, %dma_wait3A_180] : memref<10112x128xf32, #tpu.memory_space<vmem_shared>> -> memref<10112x128xf32, #tpu.memory_space<vmem_shared>>
    tpu.wait_indirect_dma semaphore(%arg21 : memref<!tpu.dma_semaphore, #tpu.memory_space<semaphore_mem>>) src(%arg12 : memref<128x128xf32, #tpu.memory_space<vmem>>) dst(%dma_wait3A_181 : memref<10112x128xf32, #tpu.memory_space<vmem_shared>>)
    %dma_start3A_182 = arith.constant 1 : i32
    %dma_start3A_183 = arith.constant 0 : i32
    %dma_start3A_184 = tpu.memref_slice %arg8[%dma_start3A_182, %dma_start3A_183] : memref<2x128xi32, #tpu.memory_space<vmem>> -> memref<1x128xi32, #tpu.memory_space<vmem>>
    %dma_start3A_185 = tpu.memref_squeeze %dma_start3A_184 : memref<1x128xi32, #tpu.memory_space<vmem>> -> memref<128xi32, #tpu.memory_space<vmem>>
    %dma_start3A_186 = arith.constant 0 : i32
    %dma_start3A_187 = arith.constant 0 : i32
    %dma_start3A_188 = tpu.memref_slice %arg3[%dma_start3A_186, %dma_start3A_187] : memref<10000x128xf32, #tpu.memory_space<hbm>> -> memref<10000x128xf32, #tpu.memory_space<hbm>>
    tpu.enqueue_indirect_dma source(%dma_start3A_188 : memref<10000x128xf32, #tpu.memory_space<hbm>>) target(%arg11 : memref<128x128xf32, #tpu.memory_space<vmem>>) offsets(%dma_start3A_185 : memref<128xi32, #tpu.memory_space<vmem>>) semaphore(%arg17 : memref<!tpu.dma_semaphore, #tpu.memory_space<semaphore_mem>>)
    %add3A_189 = arith.constant 2464 : i32
    %add3A_190 = arith.addi %add3A, %add3A_189 : i32
    %mul3A_191 = arith.constant 128 : i32
    %mul3A_192 = arith.muli %add3A_190, %mul3A_191 : i32
    %dma_start3A_193 = arith.constant 0 : i32
    %dma_start3A_194 = tpu.memref_slice %arg2[%dma_start3A_193, %mul3A_192] : memref<2x320000xi32, #tpu.memory_space<hbm>> -> memref<2x128xi32, #tpu.memory_space<hbm>>
    %dma_start3A_195 = arith.constant 0 : i32
    %dma_start3A_196 = tpu.memref_slice %arg2[%dma_start3A_195, %mul3A_192] : memref<2x320000xi32, #tpu.memory_space<hbm>> -> memref<2x128xi32, #tpu.memory_space<hbm>>
    tpu.enqueue_dma source(%dma_start3A_196 : memref<2x128xi32, #tpu.memory_space<hbm>>) target(%arg9 : memref<2x128xi32, #tpu.memory_space<vmem>>) target_semaphore(%arg15 : memref<!tpu.dma_semaphore, #tpu.memory_space<semaphore_mem>>)
    %dma_wait3A_197 = arith.constant 1 : i32
    %dma_wait3A_198 = arith.constant 0 : i32
    %dma_wait3A_199 = tpu.memref_slice %arg7[%dma_wait3A_197, %dma_wait3A_198] : memref<2x128xi32, #tpu.memory_space<vmem>> -> memref<1x128xi32, #tpu.memory_space<vmem>>
    %dma_wait3A_200 = tpu.memref_squeeze %dma_wait3A_199 : memref<1x128xi32, #tpu.memory_space<vmem>> -> memref<128xi32, #tpu.memory_space<vmem>>
    %dma_wait3A_201 = arith.constant 0 : i32
    %dma_wait3A_202 = arith.constant 0 : i32
    %dma_wait3A_203 = tpu.memref_slice %arg3[%dma_wait3A_201, %dma_wait3A_202] : memref<10000x128xf32, #tpu.memory_space<hbm>> -> memref<10000x128xf32, #tpu.memory_space<hbm>>
    tpu.wait_indirect_dma semaphore(%arg16 : memref<!tpu.dma_semaphore, #tpu.memory_space<semaphore_mem>>) src(%dma_wait3A_203 : memref<10000x128xf32, #tpu.memory_space<hbm>>) dst(%arg10 : memref<128x128xf32, #tpu.memory_space<vmem>>)
    %dma_start3A_204 = arith.constant 0 : i32
    %dma_start3A_205 = arith.constant 0 : i32
    %dma_start3A_206 = tpu.memref_slice %arg7[%dma_start3A_204, %dma_start3A_205] : memref<2x128xi32, #tpu.memory_space<vmem>> -> memref<1x128xi32, #tpu.memory_space<vmem>>
    %dma_start3A_207 = tpu.memref_squeeze %dma_start3A_206 : memref<1x128xi32, #tpu.memory_space<vmem>> -> memref<128xi32, #tpu.memory_space<vmem>>
    %dma_start3A_208 = arith.constant 0 : i32
    %dma_start3A_209 = arith.constant 0 : i32
    %dma_start3A_210 = tpu.memref_slice %arg6[%dma_start3A_208, %dma_start3A_209] : memref<10112x128xf32, #tpu.memory_space<vmem_shared>> -> memref<10112x128xf32, #tpu.memory_space<vmem_shared>>
    tpu.enqueue_indirect_dma source(%arg10 : memref<128x128xf32, #tpu.memory_space<vmem>>) target(%dma_start3A_210 : memref<10112x128xf32, #tpu.memory_space<vmem_shared>>) offsets(%dma_start3A_207 : memref<128xi32, #tpu.memory_space<vmem>>) semaphore(%arg19 : memref<!tpu.dma_semaphore, #tpu.memory_space<semaphore_mem>>) {add = true}
    %add3A_211 = arith.constant 2464 : i32
    %add3A_212 = arith.addi %add3A, %add3A_211 : i32
    %mul3A_213 = arith.constant 128 : i32
    %mul3A_214 = arith.muli %add3A_212, %mul3A_213 : i32
    %dma_wait3A_215 = arith.constant 0 : i32
    %dma_wait3A_216 = tpu.memref_slice %arg2[%dma_wait3A_215, %mul3A_214] : memref<2x320000xi32, #tpu.memory_space<hbm>> -> memref<2x128xi32, #tpu.memory_space<hbm>>
    %dma_wait3A_217 = arith.constant 0 : i32
    %dma_wait3A_218 = tpu.memref_slice %arg2[%dma_wait3A_217, %mul3A_214] : memref<2x320000xi32, #tpu.memory_space<hbm>> -> memref<2x128xi32, #tpu.memory_space<hbm>>
    tpu.wait_dma2 semaphore(%arg15 : memref<!tpu.dma_semaphore, #tpu.memory_space<semaphore_mem>>) src(%dma_wait3A_218 : memref<2x128xi32, #tpu.memory_space<hbm>>) dst(%arg9 : memref<2x128xi32, #tpu.memory_space<vmem>>)
    %dma_wait3A_219 = arith.constant 0 : i32
    %dma_wait3A_220 = arith.constant 0 : i32
    %dma_wait3A_221 = tpu.memref_slice %arg7[%dma_wait3A_219, %dma_wait3A_220] : memref<2x128xi32, #tpu.memory_space<vmem>> -> memref<1x128xi32, #tpu.memory_space<vmem>>
    %dma_wait3A_222 = tpu.memref_squeeze %dma_wait3A_221 : memref<1x128xi32, #tpu.memory_space<vmem>> -> memref<128xi32, #tpu.memory_space<vmem>>
    %dma_wait3A_223 = arith.constant 0 : i32
    %dma_wait3A_224 = arith.constant 0 : i32
    %dma_wait3A_225 = tpu.memref_slice %arg6[%dma_wait3A_223, %dma_wait3A_224] : memref<10112x128xf32, #tpu.memory_space<vmem_shared>> -> memref<10112x128xf32, #tpu.memory_space<vmem_shared>>
    tpu.wait_indirect_dma semaphore(%arg19 : memref<!tpu.dma_semaphore, #tpu.memory_space<semaphore_mem>>) src(%arg10 : memref<128x128xf32, #tpu.memory_space<vmem>>) dst(%dma_wait3A_225 : memref<10112x128xf32, #tpu.memory_space<vmem_shared>>)
    %dma_start3A_226 = arith.constant 1 : i32
    %dma_start3A_227 = arith.constant 0 : i32
    %dma_start3A_228 = tpu.memref_slice %arg9[%dma_start3A_226, %dma_start3A_227] : memref<2x128xi32, #tpu.memory_space<vmem>> -> memref<1x128xi32, #tpu.memory_space<vmem>>
    %dma_start3A_229 = tpu.memref_squeeze %dma_start3A_228 : memref<1x128xi32, #tpu.memory_space<vmem>> -> memref<128xi32, #tpu.memory_space<vmem>>
    %dma_start3A_230 = arith.constant 0 : i32
    %dma_start3A_231 = arith.constant 0 : i32
    %dma_start3A_232 = tpu.memref_slice %arg3[%dma_start3A_230, %dma_start3A_231] : memref<10000x128xf32, #tpu.memory_space<hbm>> -> memref<10000x128xf32, #tpu.memory_space<hbm>>
    tpu.enqueue_indirect_dma source(%dma_start3A_232 : memref<10000x128xf32, #tpu.memory_space<hbm>>) target(%arg12 : memref<128x128xf32, #tpu.memory_space<vmem>>) offsets(%dma_start3A_229 : memref<128xi32, #tpu.memory_space<vmem>>) semaphore(%arg18 : memref<!tpu.dma_semaphore, #tpu.memory_space<semaphore_mem>>)
    %dma_wait3A_233 = arith.constant 1 : i32
    %dma_wait3A_234 = arith.constant 0 : i32
    %dma_wait3A_235 = tpu.memref_slice %arg8[%dma_wait3A_233, %dma_wait3A_234] : memref<2x128xi32, #tpu.memory_space<vmem>> -> memref<1x128xi32, #tpu.memory_space<vmem>>
    %dma_wait3A_236 = tpu.memref_squeeze %dma_wait3A_235 : memref<1x128xi32, #tpu.memory_space<vmem>> -> memref<128xi32, #tpu.memory_space<vmem>>
    %dma_wait3A_237 = arith.constant 0 : i32
    %dma_wait3A_238 = arith.constant 0 : i32
    %dma_wait3A_239 = tpu.memref_slice %arg3[%dma_wait3A_237, %dma_wait3A_238] : memref<10000x128xf32, #tpu.memory_space<hbm>> -> memref<10000x128xf32, #tpu.memory_space<hbm>>
    tpu.wait_indirect_dma semaphore(%arg17 : memref<!tpu.dma_semaphore, #tpu.memory_space<semaphore_mem>>) src(%dma_wait3A_239 : memref<10000x128xf32, #tpu.memory_space<hbm>>) dst(%arg11 : memref<128x128xf32, #tpu.memory_space<vmem>>)
    %dma_start3A_240 = arith.constant 0 : i32
    %dma_start3A_241 = arith.constant 0 : i32
    %dma_start3A_242 = tpu.memref_slice %arg8[%dma_start3A_240, %dma_start3A_241] : memref<2x128xi32, #tpu.memory_space<vmem>> -> memref<1x128xi32, #tpu.memory_space<vmem>>
    %dma_start3A_243 = tpu.memref_squeeze %dma_start3A_242 : memref<1x128xi32, #tpu.memory_space<vmem>> -> memref<128xi32, #tpu.memory_space<vmem>>
    %dma_start3A_244 = arith.constant 0 : i32
    %dma_start3A_245 = arith.constant 0 : i32
    %dma_start3A_246 = tpu.memref_slice %arg6[%dma_start3A_244, %dma_start3A_245] : memref<10112x128xf32, #tpu.memory_space<vmem_shared>> -> memref<10112x128xf32, #tpu.memory_space<vmem_shared>>
    tpu.enqueue_indirect_dma source(%arg11 : memref<128x128xf32, #tpu.memory_space<vmem>>) target(%dma_start3A_246 : memref<10112x128xf32, #tpu.memory_space<vmem_shared>>) offsets(%dma_start3A_243 : memref<128xi32, #tpu.memory_space<vmem>>) semaphore(%arg20 : memref<!tpu.dma_semaphore, #tpu.memory_space<semaphore_mem>>) {add = true}
    %dma_wait3A_247 = arith.constant 0 : i32
    %dma_wait3A_248 = arith.constant 0 : i32
    %dma_wait3A_249 = tpu.memref_slice %arg8[%dma_wait3A_247, %dma_wait3A_248] : memref<2x128xi32, #tpu.memory_space<vmem>> -> memref<1x128xi32, #tpu.memory_space<vmem>>
    %dma_wait3A_250 = tpu.memref_squeeze %dma_wait3A_249 : memref<1x128xi32, #tpu.memory_space<vmem>> -> memref<128xi32, #tpu.memory_space<vmem>>
    %dma_wait3A_251 = arith.constant 0 : i32
    %dma_wait3A_252 = arith.constant 0 : i32
    %dma_wait3A_253 = tpu.memref_slice %arg6[%dma_wait3A_251, %dma_wait3A_252] : memref<10112x128xf32, #tpu.memory_space<vmem_shared>> -> memref<10112x128xf32, #tpu.memory_space<vmem_shared>>
    tpu.wait_indirect_dma semaphore(%arg20 : memref<!tpu.dma_semaphore, #tpu.memory_space<semaphore_mem>>) src(%arg11 : memref<128x128xf32, #tpu.memory_space<vmem>>) dst(%dma_wait3A_253 : memref<10112x128xf32, #tpu.memory_space<vmem_shared>>)
    %dma_wait3A_254 = arith.constant 1 : i32
    %dma_wait3A_255 = arith.constant 0 : i32
    %dma_wait3A_256 = tpu.memref_slice %arg9[%dma_wait3A_254, %dma_wait3A_255] : memref<2x128xi32, #tpu.memory_space<vmem>> -> memref<1x128xi32, #tpu.memory_space<vmem>>
    %dma_wait3A_257 = tpu.memref_squeeze %dma_wait3A_256 : memref<1x128xi32, #tpu.memory_space<vmem>> -> memref<128xi32, #tpu.memory_space<vmem>>
    %dma_wait3A_258 = arith.constant 0 : i32
    %dma_wait3A_259 = arith.constant 0 : i32
    %dma_wait3A_260 = tpu.memref_slice %arg3[%dma_wait3A_258, %dma_wait3A_259] : memref<10000x128xf32, #tpu.memory_space<hbm>> -> memref<10000x128xf32, #tpu.memory_space<hbm>>
    tpu.wait_indirect_dma semaphore(%arg18 : memref<!tpu.dma_semaphore, #tpu.memory_space<semaphore_mem>>) src(%dma_wait3A_260 : memref<10000x128xf32, #tpu.memory_space<hbm>>) dst(%arg12 : memref<128x128xf32, #tpu.memory_space<vmem>>)
    %dma_start3A_261 = arith.constant 0 : i32
    %dma_start3A_262 = arith.constant 0 : i32
    %dma_start3A_263 = tpu.memref_slice %arg9[%dma_start3A_261, %dma_start3A_262] : memref<2x128xi32, #tpu.memory_space<vmem>> -> memref<1x128xi32, #tpu.memory_space<vmem>>
    %dma_start3A_264 = tpu.memref_squeeze %dma_start3A_263 : memref<1x128xi32, #tpu.memory_space<vmem>> -> memref<128xi32, #tpu.memory_space<vmem>>
    %dma_start3A_265 = arith.constant 0 : i32
    %dma_start3A_266 = arith.constant 0 : i32
    %dma_start3A_267 = tpu.memref_slice %arg6[%dma_start3A_265, %dma_start3A_266] : memref<10112x128xf32, #tpu.memory_space<vmem_shared>> -> memref<10112x128xf32, #tpu.memory_space<vmem_shared>>
    tpu.enqueue_indirect_dma source(%arg12 : memref<128x128xf32, #tpu.memory_space<vmem>>) target(%dma_start3A_267 : memref<10112x128xf32, #tpu.memory_space<vmem_shared>>) offsets(%dma_start3A_264 : memref<128xi32, #tpu.memory_space<vmem>>) semaphore(%arg21 : memref<!tpu.dma_semaphore, #tpu.memory_space<semaphore_mem>>) {add = true}
    %dma_wait3A_268 = arith.constant 0 : i32
    %dma_wait3A_269 = arith.constant 0 : i32
    %dma_wait3A_270 = tpu.memref_slice %arg9[%dma_wait3A_268, %dma_wait3A_269] : memref<2x128xi32, #tpu.memory_space<vmem>> -> memref<1x128xi32, #tpu.memory_space<vmem>>
    %dma_wait3A_271 = tpu.memref_squeeze %dma_wait3A_270 : memref<1x128xi32, #tpu.memory_space<vmem>> -> memref<128xi32, #tpu.memory_space<vmem>>
    %dma_wait3A_272 = arith.constant 0 : i32
    %dma_wait3A_273 = arith.constant 0 : i32
    %dma_wait3A_274 = tpu.memref_slice %arg6[%dma_wait3A_272, %dma_wait3A_273] : memref<10112x128xf32, #tpu.memory_space<vmem_shared>> -> memref<10112x128xf32, #tpu.memory_space<vmem_shared>>
    tpu.wait_indirect_dma semaphore(%arg21 : memref<!tpu.dma_semaphore, #tpu.memory_space<semaphore_mem>>) src(%arg12 : memref<128x128xf32, #tpu.memory_space<vmem>>) dst(%dma_wait3A_274 : memref<10112x128xf32, #tpu.memory_space<vmem_shared>>)
    %lt3A = arith.constant 4 : i32
    %lt3A_275 = arith.cmpi slt, %add3A, %lt3A : i32
    %convert_element_type3A_276 = arith.extui %lt3A_275 : i1 to i32
    %cond3A_277 = arith.constant 0 : i32
    %cond3A_278 = arith.cmpi ne, %convert_element_type3A_276, %cond3A_277 : i32
    scf.if %cond3A_278 {
      %add3A_284 = arith.constant 2496 : i32
      %add3A_285 = arith.addi %add3A_284, %add3A : i32
      %mul3A_286 = arith.constant 128 : i32
      %mul3A_287 = arith.muli %add3A_285, %mul3A_286 : i32
      %dma_start3A_288 = arith.constant 0 : i32
      %dma_start3A_289 = tpu.memref_slice %arg2[%dma_start3A_288, %mul3A_287] : memref<2x320000xi32, #tpu.memory_space<hbm>> -> memref<2x128xi32, #tpu.memory_space<hbm>>
      %dma_start3A_290 = arith.constant 0 : i32
      %dma_start3A_291 = tpu.memref_slice %arg2[%dma_start3A_290, %mul3A_287] : memref<2x320000xi32, #tpu.memory_space<hbm>> -> memref<2x128xi32, #tpu.memory_space<hbm>>
      tpu.enqueue_dma source(%dma_start3A_291 : memref<2x128xi32, #tpu.memory_space<hbm>>) target(%arg7 : memref<2x128xi32, #tpu.memory_space<vmem>>) target_semaphore(%arg13 : memref<!tpu.dma_semaphore, #tpu.memory_space<semaphore_mem>>)
      %dma_wait3A_292 = arith.constant 0 : i32
      %dma_wait3A_293 = tpu.memref_slice %arg2[%dma_wait3A_292, %mul3A_287] : memref<2x320000xi32, #tpu.memory_space<hbm>> -> memref<2x128xi32, #tpu.memory_space<hbm>>
      %dma_wait3A_294 = arith.constant 0 : i32
      %dma_wait3A_295 = tpu.memref_slice %arg2[%dma_wait3A_294, %mul3A_287] : memref<2x320000xi32, #tpu.memory_space<hbm>> -> memref<2x128xi32, #tpu.memory_space<hbm>>
      tpu.wait_dma2 semaphore(%arg13 : memref<!tpu.dma_semaphore, #tpu.memory_space<semaphore_mem>>) src(%dma_wait3A_295 : memref<2x128xi32, #tpu.memory_space<hbm>>) dst(%arg7 : memref<2x128xi32, #tpu.memory_space<vmem>>)
      %dma_start3A_296 = arith.constant 1 : i32
      %dma_start3A_297 = arith.constant 0 : i32
      %dma_start3A_298 = tpu.memref_slice %arg7[%dma_start3A_296, %dma_start3A_297] : memref<2x128xi32, #tpu.memory_space<vmem>> -> memref<1x128xi32, #tpu.memory_space<vmem>>
      %dma_start3A_299 = tpu.memref_squeeze %dma_start3A_298 : memref<1x128xi32, #tpu.memory_space<vmem>> -> memref<128xi32, #tpu.memory_space<vmem>>
      %dma_start3A_300 = arith.constant 0 : i32
      %dma_start3A_301 = arith.constant 0 : i32
      %dma_start3A_302 = tpu.memref_slice %arg3[%dma_start3A_300, %dma_start3A_301] : memref<10000x128xf32, #tpu.memory_space<hbm>> -> memref<10000x128xf32, #tpu.memory_space<hbm>>
      tpu.enqueue_indirect_dma source(%dma_start3A_302 : memref<10000x128xf32, #tpu.memory_space<hbm>>) target(%arg10 : memref<128x128xf32, #tpu.memory_space<vmem>>) offsets(%dma_start3A_299 : memref<128xi32, #tpu.memory_space<vmem>>) semaphore(%arg16 : memref<!tpu.dma_semaphore, #tpu.memory_space<semaphore_mem>>)
      %dma_wait3A_303 = arith.constant 1 : i32
      %dma_wait3A_304 = arith.constant 0 : i32
      %dma_wait3A_305 = tpu.memref_slice %arg7[%dma_wait3A_303, %dma_wait3A_304] : memref<2x128xi32, #tpu.memory_space<vmem>> -> memref<1x128xi32, #tpu.memory_space<vmem>>
      %dma_wait3A_306 = tpu.memref_squeeze %dma_wait3A_305 : memref<1x128xi32, #tpu.memory_space<vmem>> -> memref<128xi32, #tpu.memory_space<vmem>>
      %dma_wait3A_307 = arith.constant 0 : i32
      %dma_wait3A_308 = arith.constant 0 : i32
      %dma_wait3A_309 = tpu.memref_slice %arg3[%dma_wait3A_307, %dma_wait3A_308] : memref<10000x128xf32, #tpu.memory_space<hbm>> -> memref<10000x128xf32, #tpu.memory_space<hbm>>
      tpu.wait_indirect_dma semaphore(%arg16 : memref<!tpu.dma_semaphore, #tpu.memory_space<semaphore_mem>>) src(%dma_wait3A_309 : memref<10000x128xf32, #tpu.memory_space<hbm>>) dst(%arg10 : memref<128x128xf32, #tpu.memory_space<vmem>>)
      %run_scoped3A = arith.constant 0 : i32
      "tpu.region"() ({
        %run_scoped3A_310 = tpu.sem_alloc : memref<!tpu.dma_semaphore, #tpu.memory_space<semaphore_mem>>
        %dma_start3A_311 = arith.constant 0 : i32
        %dma_start3A_312 = tpu.memref_slice %arg7[%run_scoped3A, %dma_start3A_311] : memref<2x128xi32, #tpu.memory_space<vmem>> -> memref<1x128xi32, #tpu.memory_space<vmem>>
        %dma_start3A_313 = tpu.memref_squeeze %dma_start3A_312 : memref<1x128xi32, #tpu.memory_space<vmem>> -> memref<128xi32, #tpu.memory_space<vmem>>
        %dma_start3A_314 = arith.constant 0 : i32
        %dma_start3A_315 = arith.constant 0 : i32
        %dma_start3A_316 = tpu.memref_slice %arg6[%dma_start3A_314, %dma_start3A_315] : memref<10112x128xf32, #tpu.memory_space<vmem_shared>> -> memref<10112x128xf32, #tpu.memory_space<vmem_shared>>
        tpu.enqueue_indirect_dma source(%arg10 : memref<128x128xf32, #tpu.memory_space<vmem>>) target(%dma_start3A_316 : memref<10112x128xf32, #tpu.memory_space<vmem_shared>>) offsets(%dma_start3A_313 : memref<128xi32, #tpu.memory_space<vmem>>) semaphore(%run_scoped3A_310 : memref<!tpu.dma_semaphore, #tpu.memory_space<semaphore_mem>>) {add = true}
        %dma_wait3A_317 = arith.constant 0 : i32
        %dma_wait3A_318 = tpu.memref_slice %arg7[%run_scoped3A, %dma_wait3A_317] : memref<2x128xi32, #tpu.memory_space<vmem>> -> memref<1x128xi32, #tpu.memory_space<vmem>>
        %dma_wait3A_319 = tpu.memref_squeeze %dma_wait3A_318 : memref<1x128xi32, #tpu.memory_space<vmem>> -> memref<128xi32, #tpu.memory_space<vmem>>
        %dma_wait3A_320 = arith.constant 0 : i32
        %dma_wait3A_321 = arith.constant 0 : i32
        %dma_wait3A_322 = tpu.memref_slice %arg6[%dma_wait3A_320, %dma_wait3A_321] : memref<10112x128xf32, #tpu.memory_space<vmem_shared>> -> memref<10112x128xf32, #tpu.memory_space<vmem_shared>>
        tpu.wait_indirect_dma semaphore(%run_scoped3A_310 : memref<!tpu.dma_semaphore, #tpu.memory_space<semaphore_mem>>) src(%arg10 : memref<128x128xf32, #tpu.memory_space<vmem>>) dst(%dma_wait3A_322 : memref<10112x128xf32, #tpu.memory_space<vmem_shared>>)
        tpu.yield
      }) : () -> ()
    } else {
    }
    %barrier3A_279 = arith.constant 0 : index
    tpu.barrier barrier_id(%barrier3A_279)
    %mul3A_280 = arith.constant 632 : i32
    %mul3A_281 = arith.muli %arg1, %mul3A_280 : i32
    %mul3A_282 = arith.constant 632 : i32
    %mul3A_283 = arith.muli %arg1, %mul3A_282 : i32
    "tpu.region"() ({
      %run_scoped3A = tpu.sem_alloc : memref<!tpu.dma_semaphore, #tpu.memory_space<semaphore_mem>>
      %dma_start3A_284 = arith.constant 0 : i32
      %dma_start3A_285 = tpu.memref_slice %arg5[%arg0, %mul3A_283, %dma_start3A_284] : memref<2x10112x128xf32, #tpu.memory_space<hbm>> -> memref<1x632x128xf32, #tpu.memory_space<hbm>>
      %dma_start3A_286 = tpu.memref_squeeze %dma_start3A_285 : memref<1x632x128xf32, #tpu.memory_space<hbm>> -> memref<632x128xf32, #tpu.memory_space<hbm>>
      %dma_start3A_287 = arith.constant 0 : i32
      %dma_start3A_288 = tpu.memref_slice %arg6[%mul3A_281, %dma_start3A_287] : memref<10112x128xf32, #tpu.memory_space<vmem_shared>> -> memref<632x128xf32, #tpu.memory_space<vmem_shared>>
      tpu.enqueue_dma source(%dma_start3A_288 : memref<632x128xf32, #tpu.memory_space<vmem_shared>>) target(%dma_start3A_286 : memref<632x128xf32, #tpu.memory_space<hbm>>) target_semaphore(%run_scoped3A : memref<!tpu.dma_semaphore, #tpu.memory_space<semaphore_mem>>)
      %dma_wait3A_289 = arith.constant 0 : i32
      %dma_wait3A_290 = tpu.memref_slice %arg5[%arg0, %mul3A_283, %dma_wait3A_289] : memref<2x10112x128xf32, #tpu.memory_space<hbm>> -> memref<1x632x128xf32, #tpu.memory_space<hbm>>
      %dma_wait3A_291 = tpu.memref_squeeze %dma_wait3A_290 : memref<1x632x128xf32, #tpu.memory_space<hbm>> -> memref<632x128xf32, #tpu.memory_space<hbm>>
      %dma_wait3A_292 = arith.constant 0 : i32
      %dma_wait3A_293 = tpu.memref_slice %arg6[%mul3A_281, %dma_wait3A_292] : memref<10112x128xf32, #tpu.memory_space<vmem_shared>> -> memref<632x128xf32, #tpu.memory_space<vmem_shared>>
      tpu.wait_dma2 semaphore(%run_scoped3A : memref<!tpu.dma_semaphore, #tpu.memory_space<semaphore_mem>>) src(%dma_wait3A_293 : memref<632x128xf32, #tpu.memory_space<vmem_shared>>) dst(%dma_wait3A_291 : memref<632x128xf32, #tpu.memory_space<hbm>>)
      tpu.yield
    }) : () -> ()
    return
  }
}

module attributes {stable_mosaic.version = 14 : i64} {
  func.func @mm(%arg0: i32, %arg1: memref<2x2000x128xf32, #tpu.memory_space<vmem>>, %arg2: memref<512x128xf32, #tpu.memory_space<vmem>>, %arg3: memref<1x512xf32, #tpu.memory_space<vmem>>, %arg4: memref<2000x512xf32, #tpu.memory_space<vmem>>) attributes {dimension_semantics = [#tpu.dimension_semantics<arbitrary>], iteration_bounds = array<i64: 5>, scalar_prefetch = 0 : i64, scratch_operands = 0 : i64, tpu.core_type = #tpu.core_type<tc>, window_params = [{transform_indices = @transform_0, window_bounds = array<i64: 2, 2000, 128>}, {pipeline_mode = #tpu.pipeline_mode<synchronous>, transform_indices = @transform_1, window_bounds = array<i64: 512, 128>}, {pipeline_mode = #tpu.pipeline_mode<synchronous>, transform_indices = @transform_2, window_bounds = array<i64: 1, 512>}, {transform_indices = @transform_3, window_bounds = array<i64: 2000, 512>}]} {
    %get3A = arith.constant 0 : index
    %get3A_0 = arith.constant 0 : index
    %get3A_1 = arith.constant 0 : index
    %get3A_2 = vector.load %arg1[%get3A, %get3A_0, %get3A_1] : memref<2x2000x128xf32, #tpu.memory_space<vmem>>, vector<1x2000x128xf32>
    %get3A_3 = vector.shape_cast %get3A_2 : vector<1x2000x128xf32> to vector<2000x128xf32>
    %get3A_4 = arith.constant 1 : index
    %get3A_5 = arith.constant 0 : index
    %get3A_6 = arith.constant 0 : index
    %get3A_7 = vector.load %arg1[%get3A_4, %get3A_5, %get3A_6] : memref<2x2000x128xf32, #tpu.memory_space<vmem>>, vector<1x2000x128xf32>
    %get3A_8 = vector.shape_cast %get3A_7 : vector<1x2000x128xf32> to vector<2000x128xf32>
    %add3A = arith.addf %get3A_3, %get3A_8 : vector<2000x128xf32>
    %get3A_9 = arith.constant 0 : index
    %get3A_10 = arith.constant 0 : index
    %get3A_11 = vector.load %arg2[%get3A_9, %get3A_10] : memref<512x128xf32, #tpu.memory_space<vmem>>, vector<512x128xf32>
    %dot_general3A = arith.constant dense<0.000000e+00> : vector<2000x512xf32>
    %dot_general3A_12 = tpu.matmul %add3A, %get3A_11, %dot_general3A {dimension_numbers = #tpu.dot_dimension_numbers<[1], [1], [0], [0], [0, 0, 1, 0], [], []>, transpose_lhs_hint = false} : vector<2000x128xf32>, vector<512x128xf32>, vector<2000x512xf32> -> vector<2000x512xf32>
    %get3A_13 = arith.constant 0 : index
    %get3A_14 = arith.constant 0 : index
    %get3A_15 = vector.load %arg3[%get3A_13, %get3A_14] : memref<1x512xf32, #tpu.memory_space<vmem>>, vector<1x512xf32>
    %add3A_16 = vector.broadcast %get3A_15 : vector<1x512xf32> to vector<2000x512xf32>
    %add3A_17 = arith.addf %dot_general3A_12, %add3A_16 : vector<2000x512xf32>
    %swap3A = arith.constant 0 : index
    %swap3A_18 = arith.constant 0 : index
    %swap3A_19 = vector.load %arg4[%swap3A, %swap3A_18] : memref<2000x512xf32, #tpu.memory_space<vmem>>, vector<2000x512xf32>
    tpu.vector_store %arg4[%swap3A, %swap3A_18], %add3A_17 {strides = array<i32>} : memref<2000x512xf32, #tpu.memory_space<vmem>>, vector<2000x512xf32>,
    return
  }
  func.func @transform_0(%arg0: i32) -> (i32, i32, i32) {
    %c0_i32 = arith.constant 0 : i32
    %c0_i32_0 = arith.constant 0 : i32
    %c0_i32_1 = arith.constant 0 : i32
    return %c0_i32, %arg0, %c0_i32_0 : i32, i32, i32
  }
  func.func @transform_1(%arg0: i32) -> (i32, i32) {
    %c0_i32 = arith.constant 0 : i32
    %c0_i32_0 = arith.constant 0 : i32
    %c0_i32_1 = arith.constant 0 : i32
    return %c0_i32, %c0_i32_0 : i32, i32
  }
  func.func @transform_2(%arg0: i32) -> (i32, i32) {
    %c0_i32 = arith.constant 0 : i32
    %c0_i32_0 = arith.constant 0 : i32
    %c0_i32_1 = arith.constant 0 : i32
    return %c0_i32, %c0_i32_0 : i32, i32
  }
  func.func @transform_3(%arg0: i32) -> (i32, i32) {
    %c0_i32 = arith.constant 0 : i32
    %c0_i32_0 = arith.constant 0 : i32
    return %arg0, %c0_i32 : i32, i32
  }
}

</mosaic_0001>

<sc_bundles>
// kernel: kernel.4.cloned.1.call-start
scs
__scs_entry_jumppad:
0x0: {  	(pc) =	sbr.rel $0x88, $3  }
0x1: {  	(tag) =	ssettag $0x0;
	lr =	simm.s32 $0x1  }
0x2: {  	[smem:$0x3F9D] =	sst lr;
	_ =	strace $0xD0000000  }
0x3: {  	_ = 	snop  }
0x4: {  	_ = 	snop  }
0x5: {  	_ = 	snop  }
0x6: {  	_ = 	snop  }
0x7: {  	_ = 	snop  }
__scs_overlays_trampoline_lowered:
0x8: {  	[smem:$0x3FAC] =	sst s0  }
0x9: {  	[smem:$0x3FAD] =	sst s1  }
0xa: {  	[smem:$0x3FAE] =	sst s2  }
0xb: {  	[smem:$0x3FAF] =	sst s3  }
0xc: {  	[smem:$0x3FB0] =	sst s4  }
0xd: {  	[smem:$0x3FB1] =	sst s5  }
0xe: {  	[smem:$0x3FB2] =	sst s6  }
0xf: {  	[smem:$0x3FB3] =	sst s7  }
0x10: {  	[smem:$0x3FB4] =	sst s8  }
0x11: {  	[smem:$0x3FB5] =	sst s9;
	s0 =	simm.s32 @!p0 $0x0  }
0x12: {  	s1 =	sld [smem:$0x3F9B];
	s0 =	simm.s32 @p0 $0x1  }
0x13: {  	[smem:$0x3FB6] =	sst s0;
	s0 =	simm.s32 @!p1 $0x0  }
0x14: {  	s2 =	sld [smem:$0x3F9A];
	s0 =	simm.s32 @p1 $0x1  }
0x15: {  	[smem:$0x3FB7] =	sst s0;
	s0 =	simm.s32 @!p2 $0x0  }
0x16: {  	s3 =	sld [smem:$0x3FDB];
	s0 =	simm.s32 @p2 $0x1  }
0x17: {  	s4 =	simm.s32 $0x1BF5;
	[smem:$0x3FB9] =	sst s0  }
0x18: {  	s0 =	sld [smem:$0x3F9C];
	_ =	swait.ge [sflag:s4], $0x0  }
0x19: {  	s7 =	sld [smem:$0x3F9D]  }
0x1a: {  	s8 =	sadd.s32 $0xFFFFE003, lr  }
0x1b: {  	s9 =	sadd.s32 $0xFFFFFEF7, lr;
	s5 =	simm.s32 $0xFFFFFFFF;
	p2 =	slt.u32 s8, $0xFFFFF086  }
0x1c: {  	p1 =	slt.u32 s9, $0xF7A;
	s5 =	simm.s32 @!p2 $0x0  }
0x1d: {  	s5 =	simm.s32 @p1 $0x1;
	p0 =	seq.s32 s7, s2  }
0x1e: {  	s7 =	smul.u32 @!p0 $0xF7A, s2;
	p2 =	seq.s32 @!p0 s5, $0x0  }
0x1f: {  	s9 =	smul.u32 $0xF7A, s1;
	s8 =	simm.s32 @!p0 $0x1BF5;
	p2 =	por !p2, p0  }
0x20: {  	[sflag:s8] =	ssyncset.s32 @!p0 $0xFFFFF086;
	s6 =	sadd.s32 @!p0 s3, s7;
	s7 =	simm.s32 @!p0 $0x108  }
0x21: {  	s3 =	sadd.s32 s3, s9;
	s6 =	sadd.s32 @!p0 $0x88, s6;
	s7 =	simm.s32 @p2 $0x1082  }
0x22: {  	[simem:s7], [sflag:s8] =	dma.local @!p0 [hbm:s6], $0xF7A  }
0x23: {  	s9 =	sor.u32 $0xD0000000, s2;
	s6 =	simm.s32 $0x108;
	_ =	swait.ge @!p0 [sflag:s8], $0x0  }
0x24: {  	s3 =	sadd.s32 $0x88, s3;
	s6 =	simm.s32 @!p1 $0x1082;
	[sflag:s4] =	ssyncset.s32 $0xFFFFF086  }
0x25: {  	[simem:s6], [sflag:s4] =	dma.local [hbm:s3], $0xF7A  }
0x26: {  	[smem:$0x3F9D] =	sst s1;
	(tag) =	ssettag s2;
	_ =	strace s9  }
0x27: {  	s1 =	sld [smem:$0x3FAD]  }
0x28: {  	s2 =	sld [smem:$0x3FAE]  }
0x29: {  	s4 =	sld [smem:$0x3FB0]  }
0x2a: {  	p0 =	seq.s32 s5, $0x0;
	s5 =	sld [smem:$0x3FB1]  }
0x2b: {  	s6 =	sld [smem:$0x3FB2]  }
0x2c: {  	s7 =	sld [smem:$0x3FB3]  }
0x2d: {  	s3 =	simm.s32 $0x108;
	s8 =	sld [smem:$0x3FB4]  }
0x2e: {  	s3 =	simm.s32 @!p0 $0x1082;
	s9 =	sld [smem:$0x3FB5]  }
0x2f: {  	lr =	sadd.s32 s0, s3;
	s0 =	sld [smem:$0x3FAC]  }
0x30: {  	s3 =	sld [smem:$0x3FAF]  }
0x31: {  	[smem:$0x3FB8] =	sst s10  }
0x32: {  	s10 =	sld [smem:$0x3FB6];
	_ =	sdelay $0x3  }
0x33: {  	p0 =	seq.s32 s10, $0x1;
	s10 =	sld [smem:$0x3FB8];
	_ =	sdelay $0x3  }
0x34: {  	[smem:$0x3FB8] =	sst s10  }
0x35: {  	s10 =	sld [smem:$0x3FB7];
	_ =	sdelay $0x3  }
0x36: {  	p1 =	seq.s32 s10, $0x1;
	s10 =	sld [smem:$0x3FB8];
	_ =	sdelay $0x3  }
0x37: {  	[smem:$0x3FB8] =	sst s10  }
0x38: {  	s10 =	sld [smem:$0x3FB9]  }
0x39: {  	_ = 	snop;
	(pc) =	sbr.ind lr, $3  }
0x3a: {  	_ = 	snop  }
0x3b: {  	_ = 	snop  }
0x3c: {  	p2 =	seq.s32 s10, $0x1;
	s10 =	sld [smem:$0x3FB8]  }
0x3d: {  	_ =	shalt  }
0x3e: {  	_ =	shalt  }
0x3f: {  	_ =	shalt  }
0x40: {  	_ =	shalt  }
0x41: {  	_ =	shalt  }
0x42: {  	_ =	shalt  }
0x43: {  	_ =	shalt  }
0x44: {  	_ =	shalt  }
0x45: {  	_ =	shalt  }
0x46: {  	_ =	shalt  }
0x47: {  	_ =	shalt  }
0x48: {  	_ =	shalt  }
0x49: {  	_ =	shalt  }
0x4a: {  	_ =	shalt  }
0x4b: {  	_ =	shalt  }
0x4c: {  	_ =	shalt  }
0x4d: {  	_ =	shalt  }
0x4e: {  	_ =	shalt  }
0x4f: {  	_ =	shalt  }
0x50: {  	_ =	shalt  }
0x51: {  	_ =	shalt  }
0x52: {  	_ =	shalt  }
0x53: {  	_ =	shalt  }
0x54: {  	_ =	shalt  }
0x55: {  	_ =	shalt  }
0x56: {  	_ =	shalt  }
0x57: {  	_ =	shalt  }
0x58: {  	_ =	shalt  }
0x59: {  	_ =	shalt  }
0x5a: {  	_ =	shalt  }
0x5b: {  	_ =	shalt  }
0x5c: {  	_ =	shalt  }
0x5d: {  	_ =	shalt  }
0x5e: {  	_ =	shalt  }
0x5f: {  	_ =	shalt  }
0x60: {  	_ =	shalt  }
0x61: {  	_ =	shalt  }
0x62: {  	_ =	shalt  }
0x63: {  	_ =	shalt  }
0x64: {  	_ =	shalt  }
0x65: {  	_ =	shalt  }
0x66: {  	_ =	shalt  }
0x67: {  	_ =	shalt  }
0x68: {  	_ =	shalt  }
0x69: {  	_ =	shalt  }
0x6a: {  	_ =	shalt  }
0x6b: {  	_ =	shalt  }
0x6c: {  	_ =	shalt  }
0x6d: {  	_ =	shalt  }
0x6e: {  	_ =	shalt  }
0x6f: {  	_ =	shalt  }
0x70: {  	_ =	shalt  }
0x71: {  	_ =	shalt  }
0x72: {  	_ =	shalt  }
0x73: {  	_ =	shalt  }
0x74: {  	_ =	shalt  }
0x75: {  	_ =	shalt  }
0x76: {  	_ =	shalt  }
0x77: {  	_ =	shalt  }
0x78: {  	_ =	shalt  }
0x79: {  	_ =	shalt  }
0x7a: {  	_ =	shalt  }
0x7b: {  	_ =	shalt  }
0x7c: {  	_ =	shalt  }
0x7d: {  	_ =	shalt  }
0x7e: {  	_ =	shalt  }
0x7f: {  	_ =	shalt  }
0x80: {  	_ =	shalt  }
0x81: {  	_ =	shalt  }
0x82: {  	_ =	shalt  }
0x83: {  	_ =	shalt  }
0x84: {  	_ =	shalt  }
0x85: {  	_ =	shalt  }
0x86: {  	_ =	shalt  }
0x87: {  	_ =	shalt  }
.Lfunc_end0:
.L_simem_size_0:
called_computation_lowered:
.L_overlay_start_0:
0x88: {  	s2 =	sld [smem:$0x3FD9]  }
0x89: {  	s3 =	sld [smem:$0x3FFE];
	_ =	sdelay $0x1  }
0x8a: {  	s1 =	srdreg.scid  }
0x8b: {  	s0 =	sand.u32 $0x1, s1  }
0x8c: {  	s17 =	sshll.u32 s0, $0xA;
	s2 =	sadd.s32 s3, s2  }
0x8d: {  	s2 =	sadd.s32 s2, s17  }
0x8e: {  	[smem:$0x3FC4] =	sst s2  }
0x8f: {  	_ = 	snop  }
0x90: {  	s2 =	sld [smem:$0x3FC9]  }
0x91: {  	s18 =	sld [smem:$0x3FC8]  }
0x92: {  	s4 =	sld [smem:$0x3FD0];
	(tm) =	ssettm $0x1  }
0x93: {  	s5 =	sld [smem:$0x3FFB];
	_ =	sdelay $0x3  }
0x94: {  	_ =	strace s5  }
0x95: {  	s5 =	sld [smem:$0x3FFC];
	_ =	sdelay $0x3  }
0x96: {  	_ =	strace s5  }
0x97: {  	s5 =	sld [smem:$0x3FFD];
	_ =	sdelay $0x3  }
0x98: {  	_ =	strace s5  }
0x99: {  	_ =	strace $0x8FFFFFFF  }
0x9a: {  	s19 =	sld [smem:$0x3FDB];
	_ =	sdelay $0x1  }
0x9b: {  	s6 =	simm.s32 $_scs_section_size  }
0x9c: {  	s7 =	simm.s32 $_size__tile_overlayer_lowered;
	s8 =	simm.s32 $_tile_overlayer_lowered  }
0x9d: {  	s22 =	simm.s32 $0x1BFF;
	s21 =	sshll.u32 s8, $0x1;
	s5 =	sadd.s32 s6, s19  }
0x9e: {  	s9 =	simm.s32 $0x0;
	s20 =	sshll.u32 s7, $0x1;
	s7 =	sadd.s32 s21, s5  }
0x9f: {  	[timem:s9], [sflag:s22] =	dma.local [hbm:s7], s20  }
0xa0: {  	_ =	swait.ge [sflag:s22], s20  }
0xa1: {  	s6 =	ssub.s32 $0x0, s20;
	[sflag:s22] =	ssyncset.done $0x0  }
0xa2: {  	[sflag:s22] =	ssyncadd.s32 s6;
	_ =	sdelay $0x1  }
0xa3: {  	s23 =	simm.s32 $0x1B8B  }
0xa4: {  	_ =	swait.ge [sflag:s23], $0x1  }
0xa5: {  	[sflag:s23] =	ssyncset.done $0x0  }
0xa6: {  	s25 =	simm.s32 $0x1B8E;
	s24 =	sld [smem:$0x3FFE];
	[sflag:s23] =	ssyncadd.s32 $0xFFFFFFFF  }
0xa7: {  	s26 =	simm.s32 $execute0_lowered;
	[smem:$0x3FD2] =	sst s25  }
0xa8: {  	s7 =	sshll.u32 s26, $0x1;
	_ =	strace $0x80000046;
	[dreg:$0x1] =	wrdreg $0xFFFFFFFF  }
0xa9: {  	s28 =	simm.s32 $_size_execute0_lowered;
	s5 =	sadd.s32 s5, s7;
	[dreg:$0x0] =	wrdreg $0x0  }
0xaa: {  	s7 =	sshll.u32 s28, $0x1;
	[dreg:$0x2] =	wrdreg s5  }
0xab: {  	[dreg:$0x3] =	wrdreg s7  }
0xac: {  	[dreg:$0x4] =	wrdreg $0xC0  }
0xad: {  	_ =	task [dreg:s9], $0x5FFFF  }
0xae: {  	[dreg:$0x1] =	wrdreg $0xFFFFFFFF  }
0xaf: {  	[dreg:$0x0] =	wrdreg $0x60  }
0xb0: {  	[dreg:$0x2] =	wrdreg s18  }
0xb1: {  	[dreg:$0x3] =	wrdreg s2  }
0xb2: {  	[dreg:$0x4] =	wrdreg s24  }
0xb3: {  	[dreg:$0x5] =	wrdreg s4  }
0xb4: {  	[dreg:$0x6] =	wrdreg $0x0  }
0xb5: {  	[dreg:$0x7] =	wrdreg $0x9  }
0xb6: {  	_ =	task.clear_ibuf [dreg:s9], $0x8FFFF;
	_ =	strace $0x90000046  }
0xb7: {  	s29 =	simm.s32 $0x9;
	_ =	strace $0x80000048  }
0xb8: {  	_ =	swait.ge [sflag:s29], $0x1  }
0xb9: {  	[sflag:s29] =	ssyncadd.s32 $0xFFFFFFFF  }
0xba: {  	_ =	strace $0x90000048  }
0xbb: {  	_ =	sfence  }
0xbc: {  	s30 =	sld [smem:$0x0];
	_ =	sdelay $0x2  }
0xbd: {  	s31 =	sshll.u32 s1, $0xD;
	s1 =	sshrl.u32 s1, $0x2  }
0xbe: {  	s3 =	sand.u32 $0x4000, s31;
	s1 =	sadd.s32 s1, s30  }
0xbf: {  	s0 =	sor.u32 s3, s0;
	s1 =	sshll.u32 s1, $0x11  }
0xc0: {  	s0 =	sor.u32 s1, s0  }
0xc1: {  	s0 =	sadd.s32 $0x8F2B, s0  }
0xc2: {  	[sflag:s0] =	ssyncadd.remote.s32 $0x1  }
0xc3: {  	_ =	sfence.sel $0xFFFF  }
0xc4: {  	[dreg:$0x0] =	wrdreg $0xFFFFFFFF;
	(pc) =	sbr.abs _section_cstart, $3  }
0xc5: {  	[dreg:$0x1] =	wrdreg $0xFFFFFFFF  }
0xc6: {  	_ =	task.clear_ibuf [dreg:s9], $0x2FFFF;
	_ =	strace $0x9FFFFFFF  }
0xc7: {  	(tm) =	ssettm $0x7FFFFFFF  }
tec
execute0_lowered:
.L_overlay_start_1:
0x0: {  	(tag) =	ssettag $0x1  }
0x1: {  	s0 =	rddreg [dreg:$0x0]  }
0x2: {  	s1 =	rddreg [dreg:$0x1]  }
0x3: {  	s4 =	rddreg [dreg:$0x2]  }
0x4: {  	s6 =	rddreg [dreg:$0x3]  }
0x5: {  	s2 =	rddreg [dreg:$0x4];
	s3 =	simm.s32 $0x0;
	s7 =	srdreg.scid  }
0x6: {  	s14 =	stileid.u32;
	s28 =	simm.s32 $0x80;
	s29 =	simm.s32 $0x13C80  }
0x7: {  	s30 =	simm.s32 $0x13F00;
	s31 =	simm.s32 $0x2;
	[smem:$0x7FF] =	sst s3  }
0x8: {  	s5 =	sadd.s32 $0xA00, s4;
	s16 =	sand.u32 $0x1, s7;
	s11 =	smul.u32 $0x4F000, s14  }
0x9: {  	s15 =	sshll.u32 s14, $0x6;
	s18 =	smul.u32 $0x2780, s14;
	s21 =	sadd.s32 $0x25080, s1  }
0xa: {  	s22 =	smul.u32 $0x13C00, s14;
	s13 =	sadd.s32 $0x138800, s2;
	p3 =	sgt.u32 s14, $0x1  }
0xb: {  	_ =	strace $0x80000047;
	s7 =	ssub.s32 $0x2, s16;
	s8 =	sshll.u32 s16, $0x5  }
0xc: {  	p0 =	seq.s32 s16, $0x1;
	s4 =	smul.u32 $0x13C000, s16;
	[dreg:$0xa] =	wrdreg s21  }
0xd: {  	[dreg:$0x6] =	wrdreg s15;
	s21 =	simm.s32 $0x13D00;
	s9 =	sshrl.u32 s7, $0x1  }
0xe: {  	s10 =	sor.u32 s8, s15;
	s20 =	sshrl.u32 s11, $0x2;
	p2 =	seq.s32 @!p0 s14, $0xF  }
0xf: {  	s11 =	simm.s32 $0x3;
	s12 =	ssub.s32 s7, s9;
	s17 =	sadd.s32 s0, s10  }
0x10: {  	s9 =	sadd.s32 s20, s2;
	s10 =	sadd.s32 s1, s18;
	s4 =	sadd.s32 s22, s4  }
0x11: {  	s0 =	sadd.s32 s15, s0;
	s20 =	simm.s32 $0x13C00;
	p1 =	por !p2, p0  }
0x12: {  	p2 =	por p2, p0;
	s15 =	simm.s32 $0x8;
	[dreg:$0x9] =	wrdreg s10  }
0x13: {  	s18 =	simm.s32 $0xA;
	s19 =	sadd.s32 $0x400, s17;
	[dreg:$0x7] =	wrdreg s17  }
0x14: {  	s22 =	simm.s32 $0x0;
	s16 =	sadd.s32 $0x800, s17;
	[dreg:$0x8] =	wrdreg s19  }
0x15: {  	s10 =	sadd.s32 $0x128400, s2;
	s23 =	sadd.s32 $0xC00, s17;
	[dreg:$0xb] =	wrdreg s16  }
0x16: {  	s24 =	sadd.s32 $0x1000, s17;
	s25 =	sadd.s32 $0x13400, s17;
	[dreg:$0xc] =	wrdreg s23  }
0x17: {  	s7 =	sadd.s32 $0x13800, s17;
	s4 =	sshrl.u32 s4, $0x3;
	[dreg:$0xd] =	wrdreg s24  }
0x18: {  	s26 =	smax.u32 s12, $0x1;
	s12 =	simm.s32 $0x7;
	[dreg:$0xe] =	wrdreg s25  }
0x19: {  	s17 =	simm.s32 $0x9;
	[dreg:$0xf] =	wrdreg s7;
	s4 =	sadd.s32 s6, s4  }
0x1a: {  	[dreg:$0x11] =	wrdreg s26;
	s19 =	sadd.s32 s8, s0;
	s0 =	sshll.u32 @p0 s14, $0x6  }
0x1b: {  	s26 =	simm.s32 $0x1;
	s8 =	simm.s32 $0x13E00;
	s6 =	simm.s32 $0x1BF00  }
0x1c: {  	s14 =	simm.s32 $0x5;
	[dreg:$0x10] =	wrdreg s4;
	s0 =	sor.u32 @p0 $0x1C0A, s0  }
0x1d: {  	s16 =	simm.s32 $0x6;
	[dreg:$0x12] =	wrdreg s0;
	s0 =	sshrl.u32 @p0 s9, $0x3  }
0x1e: {  	s4 =	simm.s32 $0x17F00;
	[dreg:$0x13] =	wrdreg s0;
	s0 =	sshrl.u32 @!p1 s10, $0x3  }
0x1f: {  	s10 =	simm.s32 $0x4;
	[dreg:$0x14] =	wrdreg s0;
	s0 =	sshrl.u32 @!p1 s13, $0x3  }
0x20: {  	s13 =	simm.s32 $0x13E80;
	[dreg:$0x15] =	wrdreg s0;
	s0 =	simm.s32 $0x13D80  }
.LBB2_1:
0x21: {  	s7 =	rddreg [dreg:$0x7]  }
0x22: {  	s25 =	rddreg [dreg:$0x8]  }
0x23: {  	s23 =	rddreg [dreg:$0x13]  }
0x24: {  	[tilespmem:s20], [sflag:$0x1] =	stream.linear.gather [hbm4b:s7+s3], $0x100, $0x38;
	[tilespmem:$0x1FF00] =	vst v63  }
0x25: {  	s7 =	rddreg [dreg:$0x12]  }
0x26: {  	[tilespmem:s21], [sflag:$0x2] =	stream.linear.gather [hbm4b:s25+s3], $0x100, $0x38;
	[tilespmem:$0x1FF00] =	vst v63  }
0x27: {  	[spmem:s23], [sflag:s7] =	dma.local @p0 [hbm:s5], $0x2780  }
0x28: {  	s23 =	simm.s32 @p0 $0xA  }
0x29: {  	_ =	swait.ge @p0 [sflag:s23], $0x2780  }
0x2a: {  	[sflag:s23] =	ssyncset.done @p0 $0x0;
	s7 =	rddreg [dreg:$0xa]  }
0x2b: {  	s24 =	rddreg [dreg:$0x14];
	[sflag:s23] =	ssyncadd.s32 @p0 $0xFFFFD880;
	s23 =	simm.s32 @!p1 $0x1FCA  }
0x2c: {  	[spmem:s24], [sflag:s23] =	dma.local @!p1 [hbm:s7], $0x2080  }
0x2d: {  	s24 =	simm.s32 @!p1 $0xA  }
0x2e: {  	_ =	swait.ge @!p1 [sflag:s24], $0x2080  }
0x2f: {  	[sflag:s24] =	ssyncset.done @!p1 $0x0  }
0x30: {  	s7 =	rddreg [dreg:$0x15];
	[sflag:s24] =	ssyncadd.s32 @!p1 $0xFFFFDF80  }
0x31: {  	[spmem:s7], [sflag:s23] =	dma.local @!p1 [hbm:s5], $0x700  }
0x32: {  	s7 =	stileid.u32  }
0x33: {  	_ =	swait.ge @!p1 [sflag:s24], $0x700;
	s23 =	sshll.u32 @!p2 s7, $0x6  }
0x34: {  	[sflag:s24] =	ssyncset.done @!p1 $0x0;
	s23 =	sor.u32 @!p2 $0x1C0A, s23  }
0x35: {  	s7 =	rddreg [dreg:$0x9];
	[sflag:s24] =	ssyncadd.s32 @!p1 $0xFFFFF900;
	s24 =	sshrl.u32 @!p2 s9, $0x3  }
0x36: {  	[spmem:s24], [sflag:s23] =	dma.local @!p2 [hbm:s7], $0x2780  }
0x37: {  	s23 =	simm.s32 @!p2 $0xA  }
0x38: {  	_ =	swait.ge @!p2 [sflag:s23], $0x2780  }
0x39: {  	[sflag:s23] =	ssyncset.done @!p2 $0x0  }
0x3a: {  	[sflag:s23] =	ssyncadd.s32 @!p2 $0xFFFFD880  }
0x3b: {  	[bflag:$0x0] =	sbarrier.arrive $0xFFFF  }
0x3c: {  	_ =	swait.ge [sflag:s26], $0x100  }
0x3d: {  	[sflag:s26] =	ssyncset.done $0x0  }
0x3e: {  	[sflag:s26] =	ssyncadd.s32 $0xFFFFFF00  }
0x3f: {  	[tilespmem:s30], [sflag:$0x4] =	stream.indirect.gather [hbm4b:s1+s28], $0x80, s29, s28, $0xb8;
	[tilespmem:$0x1FF00] =	vst v63  }
0x40: {  	_ =	swait.ge [sflag:s31], $0x100  }
0x41: {  	[sflag:s31] =	ssyncset.done $0x0  }
0x42: {  	[sflag:s31] =	ssyncadd.s32 $0xFFFFFF00  }
0x43: {  	[tilespmem:s4], [sflag:$0x5] =	stream.indirect.gather [hbm4b:s1+s28], $0x80, s0, s28, $0xb8;
	[tilespmem:$0x1FF00] =	vst v63  }
0x44: {  	s23 =	rddreg [dreg:$0xb]  }
0x45: {  	[tilespmem:s8], [sflag:$0x3] =	stream.linear.gather [hbm4b:s23+s3], $0x100, $0x38;
	[tilespmem:$0x1FF00] =	vst v63  }
0x46: {  	_ =	swait.ge [sflag:s10], $0x4000  }
0x47: {  	[sflag:s10] =	ssyncset.done $0x0  }
0x48: {  	[sflag:s10] =	ssyncadd.s32 $0xFFFFC000  }
0x49: {  	[spmem:s2] =	stream.indirect.scatter.add.f32 [tilespmem:s30], [sflag:$0x7], $0x80, s20, s28, $0xb8;
	[tilespmem:$0x1FF00] =	vst v63  }
0x4a: {  	_ =	swait.ge [sflag:s11], $0x100  }
0x4b: {  	[sflag:s11] =	ssyncset.done $0x0  }
0x4c: {  	[sflag:s11] =	ssyncadd.s32 $0xFFFFFF00  }
0x4d: {  	_ =	swait.ge [sflag:s12], $0x4000  }
0x4e: {  	[sflag:s12] =	ssyncset.done $0x0  }
0x4f: {  	[sflag:s12] =	ssyncadd.s32 $0xFFFFC000  }
0x50: {  	[tilespmem:s6], [sflag:$0x6] =	stream.indirect.gather [hbm4b:s1+s28], $0x80, s13, s28, $0xb8;
	[tilespmem:$0x1FF00] =	vst v63  }
0x51: {  	s24 =	rddreg [dreg:$0xc]  }
0x52: {  	[tilespmem:s20], [sflag:$0x1] =	stream.linear.gather [hbm4b:s24+s3], $0x100, $0x38;
	[tilespmem:$0x1FF00] =	vst v63  }
0x53: {  	_ =	swait.ge [sflag:s14], $0x4000  }
0x54: {  	[sflag:s14] =	ssyncset.done $0x0  }
0x55: {  	[sflag:s14] =	ssyncadd.s32 $0xFFFFC000  }
0x56: {  	[spmem:s2] =	stream.indirect.scatter.add.f32 [tilespmem:s4], [sflag:$0x8], $0x80, s21, s28, $0xb8;
	[tilespmem:$0x1FF00] =	vst v63  }
0x57: {  	_ =	swait.ge [sflag:s26], $0x100  }
0x58: {  	[sflag:s26] =	ssyncset.done $0x0  }
0x59: {  	[sflag:s26] =	ssyncadd.s32 $0xFFFFFF00  }
0x5a: {  	_ =	swait.ge [sflag:s15], $0x4000  }
0x5b: {  	[sflag:s15] =	ssyncset.done $0x0  }
0x5c: {  	[sflag:s15] =	ssyncadd.s32 $0xFFFFC000  }
0x5d: {  	[tilespmem:s30], [sflag:$0x4] =	stream.indirect.gather [hbm4b:s1+s28], $0x80, s29, s28, $0xb8;
	[tilespmem:$0x1FF00] =	vst v63  }
0x5e: {  	s25 =	rddreg [dreg:$0xd]  }
0x5f: {  	[tilespmem:s21], [sflag:$0x2] =	stream.linear.gather [hbm4b:s25+s3], $0x100, $0x38;
	[tilespmem:$0x1FF00] =	vst v63  }
0x60: {  	_ =	swait.ge [sflag:s16], $0x4000  }
0x61: {  	[sflag:s16] =	ssyncset.done $0x0  }
0x62: {  	[sflag:s16] =	ssyncadd.s32 $0xFFFFC000  }
0x63: {  	[spmem:s2] =	stream.indirect.scatter.add.f32 [tilespmem:s6], [sflag:$0x9], $0x80, s8, s28, $0xb8;
	[tilespmem:$0x1FF00] =	vst v63  }
0x64: {  	_ =	swait.ge [sflag:s31], $0x100  }
0x65: {  	[sflag:s31] =	ssyncset.done $0x0  }
0x66: {  	[sflag:s31] =	ssyncadd.s32 $0xFFFFFF00  }
0x67: {  	_ =	swait.ge [sflag:s17], $0x4000  }
0x68: {  	[sflag:s17] =	ssyncset.done $0x0  }
0x69: {  	s23 =	sadd.s32 $0xFFFEE000, s19;
	[sflag:s17] =	ssyncadd.s32 $0xFFFFC000  }
0x6a: {  	[tilespmem:s4], [sflag:$0x5] =	stream.indirect.gather [hbm4b:s1+s28], $0x80, s0, s28, $0xb8;
	[tilespmem:$0x1FF00] =	vst v63  }
0x6b: {  	s7 =	sadd.s32 $0x13400, s23  }
0x6c: {  	[tilespmem:s8], [sflag:$0x3] =	stream.linear.gather [hbm4b:s7+s3], $0x100, $0x38;
	[tilespmem:$0x1FF00] =	vst v63  }
0x6d: {  	_ =	swait.ge [sflag:s10], $0x4000  }
0x6e: {  	[sflag:s10] =	ssyncset.done $0x0  }
0x6f: {  	[sflag:s10] =	ssyncadd.s32 $0xFFFFC000  }
0x70: {  	[spmem:s2] =	stream.indirect.scatter.add.f32 [tilespmem:s30], [sflag:$0x7], $0x80, s20, s28, $0xb8;
	[tilespmem:$0x1FF00] =	vst v63  }
0x71: {  	_ =	swait.ge [sflag:s11], $0x100  }
0x72: {  	[sflag:s11] =	ssyncset.done $0x0  }
0x73: {  	[sflag:s11] =	ssyncadd.s32 $0xFFFFFF00  }
0x74: {  	_ =	swait.ge [sflag:s12], $0x4000  }
0x75: {  	[sflag:s12] =	ssyncset.done $0x0  }
0x76: {  	[sflag:s12] =	ssyncadd.s32 $0xFFFFC000  }
0x77: {  	[tilespmem:s6], [sflag:$0x6] =	stream.indirect.gather [hbm4b:s1+s28], $0x80, s13, s28, $0xb8;
	[tilespmem:$0x1FF00] =	vst v63  }
0x78: {  	s25 =	sadd.s32 $0x13800, s23  }
0x79: {  	[tilespmem:s20], [sflag:$0x1] =	stream.linear.gather [hbm4b:s25+s3], $0x100, $0x38;
	[tilespmem:$0x1FF00] =	vst v63  }
0x7a: {  	_ =	swait.ge [sflag:s14], $0x4000  }
0x7b: {  	[sflag:s14] =	ssyncset.done $0x0  }
0x7c: {  	[sflag:s14] =	ssyncadd.s32 $0xFFFFC000  }
0x7d: {  	[spmem:s2] =	stream.indirect.scatter.add.f32 [tilespmem:s4], [sflag:$0x8], $0x80, s21, s28, $0xb8;
	[tilespmem:$0x1FF00] =	vst v63  }
0x7e: {  	_ =	swait.ge [sflag:s26], $0x100  }
0x7f: {  	[sflag:s26] =	ssyncset.done $0x0  }
0x80: {  	[sflag:s26] =	ssyncadd.s32 $0xFFFFFF00  }
0x81: {  	_ =	swait.ge [sflag:s15], $0x4000  }
0x82: {  	[sflag:s15] =	ssyncset.done $0x0  }
0x83: {  	[sflag:s15] =	ssyncadd.s32 $0xFFFFC000  }
0x84: {  	[tilespmem:s30], [sflag:$0x4] =	stream.indirect.gather [hbm4b:s1+s28], $0x80, s29, s28, $0xb8;
	[tilespmem:$0x1FF00] =	vst v63  }
0x85: {  	s23 =	sadd.s32 $0x13C00, s23  }
0x86: {  	[tilespmem:s21], [sflag:$0x2] =	stream.linear.gather [hbm4b:s23+s3], $0x100, $0x38;
	[tilespmem:$0x1FF00] =	vst v63  }
0x87: {  	_ =	swait.ge [sflag:s16], $0x4000  }
0x88: {  	[sflag:s16] =	ssyncset.done $0x0  }
0x89: {  	s23 =	simm.s32 $0xFFFEEC00;
	[sflag:s16] =	ssyncadd.s32 $0xFFFFC000  }
.LBB2_2:
0x8a: {  	[spmem:s2] =	stream.indirect.scatter.add.f32 [tilespmem:s6], [sflag:$0x9], $0x80, s8, s28, $0xb8;
	[tilespmem:$0x1FF00] =	vst v63  }
0x8b: {  	s24 =	smov.u32 s23  }
0x8c: {  	p4 =	sne.s32 s23, $0xFFFFF400;
	s23 =	sadd.s32 $0xC00, s23;
	_ =	swait.ge [sflag:s31], $0x100  }
0x8d: {  	[sflag:s31] =	ssyncset.done $0x0  }
0x8e: {  	[sflag:s31] =	ssyncadd.s32 $0xFFFFFF00  }
0x8f: {  	_ =	swait.ge [sflag:s17], $0x4000  }
0x90: {  	[sflag:s17] =	ssyncset.done $0x0  }
0x91: {  	s24 =	sadd.s32 s24, s19;
	[sflag:s17] =	ssyncadd.s32 $0xFFFFC000  }
0x92: {  	[tilespmem:s4], [sflag:$0x5] =	stream.indirect.gather [hbm4b:s1+s28], $0x80, s0, s28, $0xb8;
	[tilespmem:$0x1FF00] =	vst v63  }
0x93: {  	s25 =	sadd.s32 $0x13400, s24  }
0x94: {  	[tilespmem:s8], [sflag:$0x3] =	stream.linear.gather [hbm4b:s25+s3], $0x100, $0x38;
	[tilespmem:$0x1FF00] =	vst v63  }
0x95: {  	_ =	swait.ge [sflag:s10], $0x4000  }
0x96: {  	[sflag:s10] =	ssyncset.done $0x0  }
0x97: {  	[sflag:s10] =	ssyncadd.s32 $0xFFFFC000  }
0x98: {  	[spmem:s2] =	stream.indirect.scatter.add.f32 [tilespmem:s30], [sflag:$0x7], $0x80, s20, s28, $0xb8;
	[tilespmem:$0x1FF00] =	vst v63  }
0x99: {  	_ =	swait.ge [sflag:s11], $0x100  }
0x9a: {  	[sflag:s11] =	ssyncset.done $0x0  }
0x9b: {  	[sflag:s11] =	ssyncadd.s32 $0xFFFFFF00  }
0x9c: {  	_ =	swait.ge [sflag:s12], $0x4000  }
0x9d: {  	[sflag:s12] =	ssyncset.done $0x0  }
0x9e: {  	[sflag:s12] =	ssyncadd.s32 $0xFFFFC000  }
0x9f: {  	[tilespmem:s6], [sflag:$0x6] =	stream.indirect.gather [hbm4b:s1+s28], $0x80, s13, s28, $0xb8;
	[tilespmem:$0x1FF00] =	vst v63  }
0xa0: {  	s25 =	sadd.s32 $0x13800, s24  }
0xa1: {  	[tilespmem:s20], [sflag:$0x1] =	stream.linear.gather [hbm4b:s25+s3], $0x100, $0x38;
	[tilespmem:$0x1FF00] =	vst v63  }
0xa2: {  	_ =	swait.ge [sflag:s14], $0x4000  }
0xa3: {  	[sflag:s14] =	ssyncset.done $0x0  }
0xa4: {  	[sflag:s14] =	ssyncadd.s32 $0xFFFFC000  }
0xa5: {  	[spmem:s2] =	stream.indirect.scatter.add.f32 [tilespmem:s4], [sflag:$0x8], $0x80, s21, s28, $0xb8;
	[tilespmem:$0x1FF00] =	vst v63  }
0xa6: {  	_ =	swait.ge [sflag:s26], $0x100  }
0xa7: {  	[sflag:s26] =	ssyncset.done $0x0  }
0xa8: {  	[sflag:s26] =	ssyncadd.s32 $0xFFFFFF00  }
0xa9: {  	_ =	swait.ge [sflag:s15], $0x4000  }
0xaa: {  	[sflag:s15] =	ssyncset.done $0x0  }
0xab: {  	[sflag:s15] =	ssyncadd.s32 $0xFFFFC000  }
0xac: {  	[tilespmem:s30], [sflag:$0x4] =	stream.indirect.gather [hbm4b:s1+s28], $0x80, s29, s28, $0xb8;
	[tilespmem:$0x1FF00] =	vst v63  }
.Ltmp0:
0xad: {  	s24 =	sadd.s32 $0x13C00, s24;
	(pc) =	sbr.rel @p4 .LBB2_2-.Ltmp0, $4  }
0xae: {  	[tilespmem:s21], [sflag:$0x2] =	stream.linear.gather [hbm4b:s24+s3], $0x100, $0x38;
	[tilespmem:$0x1FF00] =	vst v63  }
0xaf: {  	_ =	swait.ge [sflag:s16], $0x4000  }
0xb0: {  	[sflag:s16] =	ssyncset.done $0x0  }
0xb1: {  	[sflag:s16] =	ssyncadd.s32 $0xFFFFC000  }
0xb2: {  	[spmem:s2] =	stream.indirect.scatter.add.f32 [tilespmem:s6], [sflag:$0x9], $0x80, s8, s28, $0xb8;
	[tilespmem:$0x1FF00] =	vst v63  }
0xb3: {  	_ =	swait.ge [sflag:s31], $0x100  }
0xb4: {  	[sflag:s31] =	ssyncset.done $0x0  }
0xb5: {  	[sflag:s31] =	ssyncadd.s32 $0xFFFFFF00  }
0xb6: {  	_ =	swait.ge [sflag:s17], $0x4000  }
0xb7: {  	[sflag:s17] =	ssyncset.done $0x0  }
0xb8: {  	[sflag:s17] =	ssyncadd.s32 $0xFFFFC000  }
0xb9: {  	[tilespmem:s4], [sflag:$0x5] =	stream.indirect.gather [hbm4b:s1+s28], $0x80, s0, s28, $0xb8;
	[tilespmem:$0x1FF00] =	vst v63  }
0xba: {  	s7 =	rddreg [dreg:$0xe]  }
0xbb: {  	[tilespmem:s8], [sflag:$0x3] =	stream.linear.gather [hbm4b:s7+s3], $0x100, $0x38;
	[tilespmem:$0x1FF00] =	vst v63  }
0xbc: {  	_ =	swait.ge [sflag:s10], $0x4000  }
0xbd: {  	[sflag:s10] =	ssyncset.done $0x0  }
0xbe: {  	[sflag:s10] =	ssyncadd.s32 $0xFFFFC000  }
0xbf: {  	[spmem:s2] =	stream.indirect.scatter.add.f32 [tilespmem:s30], [sflag:$0x7], $0x80, s20, s28, $0xb8;
	[tilespmem:$0x1FF00] =	vst v63  }
0xc0: {  	_ =	swait.ge [sflag:s11], $0x100  }
0xc1: {  	[sflag:s11] =	ssyncset.done $0x0  }
0xc2: {  	[sflag:s11] =	ssyncadd.s32 $0xFFFFFF00  }
0xc3: {  	_ =	swait.ge [sflag:s12], $0x4000  }
0xc4: {  	[sflag:s12] =	ssyncset.done $0x0  }
0xc5: {  	[sflag:s12] =	ssyncadd.s32 $0xFFFFC000  }
0xc6: {  	[tilespmem:s6], [sflag:$0x6] =	stream.indirect.gather [hbm4b:s1+s28], $0x80, s13, s28, $0xb8;
	[tilespmem:$0x1FF00] =	vst v63  }
0xc7: {  	_ =	swait.ge [sflag:s14], $0x4000  }
0xc8: {  	[sflag:s14] =	ssyncset.done $0x0  }
0xc9: {  	[sflag:s14] =	ssyncadd.s32 $0xFFFFC000  }
0xca: {  	[spmem:s2] =	stream.indirect.scatter.add.f32 [tilespmem:s4], [sflag:$0x8], $0x80, s21, s28, $0xb8;
	[tilespmem:$0x1FF00] =	vst v63  }
0xcb: {  	_ =	swait.ge [sflag:s15], $0x4000  }
0xcc: {  	[sflag:s15] =	ssyncset.done $0x0  }
0xcd: {  	[sflag:s15] =	ssyncadd.s32 $0xFFFFC000  }
0xce: {  	_ =	swait.ge [sflag:s16], $0x4000  }
0xcf: {  	[sflag:s16] =	ssyncset.done $0x0  }
0xd0: {  	[sflag:s16] =	ssyncadd.s32 $0xFFFFC000  }
0xd1: {  	[spmem:s2] =	stream.indirect.scatter.add.f32 [tilespmem:s6], [sflag:$0x9], $0x80, s8, s28, $0xb8;
	[tilespmem:$0x1FF00] =	vst v63  }
0xd2: {  	_ =	swait.ge [sflag:s17], $0x4000  }
0xd3: {  	s23 =	simm.s32 @!p3 $0x0;
	[sflag:s17] =	ssyncset.done $0x0  }
0xd4: {  	s24 =	simm.s32 @!p3 $0x13C00;
	s7 =	rddreg [dreg:$0xf];
	[sflag:s17] =	ssyncadd.s32 $0xFFFFC000  }
0xd5: {  	[tilespmem:s24], [sflag:$0x1] =	stream.linear.gather @!p3 [hbm4b:s7+s23], $0x100, $0x38;
	[tilespmem:$0x1FF00] =	vst v63  }
0xd6: {  	s23 =	simm.s32 @!p3 $0x1  }
0xd7: {  	_ =	swait.ge @!p3 [sflag:s23], $0x100  }
0xd8: {  	s25 =	simm.s32 @!p3 $0x13C80;
	[sflag:s23] =	ssyncset.done @!p3 $0x0  }
0xd9: {  	s7 =	simm.s32 @!p3 $0x13F00;
	[sflag:s23] =	ssyncadd.s32 @!p3 $0xFFFFFF00;
	s23 =	simm.s32 @!p3 $0x80  }
0xda: {  	[tilespmem:s7], [sflag:$0x4] =	stream.indirect.gather @!p3 [hbm4b:s1+s23], $0x80, s25, s23, $0xb8;
	[tilespmem:$0x1FF00] =	vst v63  }
0xdb: {  	s25 =	simm.s32 @!p3 $0x4  }
0xdc: {  	_ =	swait.ge @!p3 [sflag:s25], $0x4000  }
0xdd: {  	[sflag:s25] =	ssyncset.done @!p3 $0x0  }
0xde: {  	[sflag:s25] =	ssyncadd.s32 @!p3 $0xFFFFC000  }
0xdf: {  	[spmem:s2] =	stream.indirect.scatter.add.f32 @!p3 [tilespmem:s7], [sflag:$0xA], $0x80, s24, s23, $0xb8;
	[tilespmem:$0x1FF00] =	vst v63  }
0xe0: {  	s7 =	simm.s32 @!p3 $0xA  }
0xe1: {  	_ =	swait.ge @!p3 [sflag:s7], $0x4000  }
0xe2: {  	[sflag:s7] =	ssyncset.done @!p3 $0x0  }
0xe3: {  	[sflag:s7] =	ssyncadd.s32 @!p3 $0xFFFFC000  }
0xe4: {  	[bflag:$0x0] =	sbarrier.arrive $0xFFFF  }
0xe5: {  	s23 =	rddreg [dreg:$0x6]  }
0xe6: {  	s24 =	sshrl.u32 s9, $0x3;
	s25 =	rddreg [dreg:$0x10];
	s7 =	sor.u32 $0x1C0A, s23  }
0xe7: {  	[hbm:s25], [sflag:s7] =	dma.local [spmem:s24], $0x2780  }
0xe8: {  	_ =	swait.ge [sflag:s18], $0x2780  }
0xe9: {  	s22 =	sadd.s32 $0x1, s22;
	s25 =	rddreg [dreg:$0x11]  }
0xea: {  	p4 =	sne.s32 s22, s25  }
.Ltmp1:
0xeb: {  	_ = 	snop;
	(pc) =	sbr.rel @p4 .LBB2_1-.Ltmp1, $3  }
0xec: {  	_ =	sdelay $0x1  }
0xed: {  	[sflag:s18] =	ssyncset.done $0x0  }
0xee: {  	[sflag:s18] =	ssyncadd.s32 $0xFFFFD880  }
0xef: {  	_ =	sfence.sel $0x180000  }
0xf0: {  	[bflag:$0x0] =	sbarrier.arrive $0xFFFF  }
0xf1: {  	_ =	strace $0x90000047  }
0xf2: {  	s0 =	stileid.u32;
	[bflag:$0x2] =	sbarrier.arrive $0xFFFF  }
0xf3: {  	p0 =	sne.s32 s0, $0x0;
	s0 =	rddreg [dreg:$0x5]  }
0xf4: {  	s0 =	sadd.s32 @!p0 $0x100000, s0  }
0xf5: {  	[sflag:s0] =	ssyncadd.tile.s32 @!p0 $0x1;
	_ =	shalt  }
.Lfunc_end2:
_tile_overlayer_lowered:
.L_overlay_start_2:
0xf6: {  	(tag) =	ssettag $0x2  }
0xf7: {  	s0 =	rddreg [dreg:$0x0];
	s2 =	stileid.u32  }
0xf8: {  	s1 =	rddreg [dreg:$0x1];
	p0 =	sne.s32 s2, $0x0  }
0xf9: {  	s3 =	rddreg [dreg:$0x2];
	[bflag:$0x3] =	sbarrier.arrive $0xFFFF;
	s2 =	simm.s32 @!p0 $0x1C0A  }
0xfa: {  	[timem:s3], [sflag:s2] =	dma.local @!p0 [hbm:s0], s1  }
0xfb: {  	s0 =	simm.s32 @!p0 $0xA  }
0xfc: {  	_ =	swait.ge @!p0 [sflag:s0], s1  }
0xfd: {  	s1 =	ssub.s32 @!p0 $0x0, s1;
	[sflag:s0] =	ssyncset.done @!p0 $0x0  }
0xfe: {  	[sflag:s0] =	ssyncadd.s32 @!p0 s1  }
0xff: {  	[bflag:$0x3] =	sbarrier.arrive $0xFFFF  }
0x100: {  	_ =	shalt  }

</sc_bundles>
